<compile_context>
chip_gen: v7x
topology: tpu7x:2x2x1
jax: 0.10.2.dev20260603
libtpu: 0.0.44.dev20260713+nightly
codegen_flags: <defaults>
</compile_context>

<pallas_src>
import functools

import jax
import jax.numpy as jnp
from jax import lax
from jax.experimental import pallas as pl
from jax.experimental.pallas import tpu as pltpu
from jax.experimental.pallas import tpu_sc as plsc

H = 64
E = 300
B = 1024
L = 200
NF = 4
LIN = 128


V = 120000
PROJ = 8 * H
_MBLK = 3000


def _proj_body(e_ref, w_ref, o_ref):
    o_ref[...] = jnp.dot(e_ref[...], w_ref[...],
                         preferred_element_type=jnp.float32)


def _proj_table(emb, wcat):
    return pl.pallas_call(
        _proj_body,
        grid=(V // _MBLK,),
        in_specs=[
            pl.BlockSpec((_MBLK, E), lambda i: (i, 0)),
            pl.BlockSpec((E, PROJ), lambda i: (0, 0)),
        ],
        out_specs=pl.BlockSpec((_MBLK, PROJ), lambda i: (i, 0)),
        out_shape=jax.ShapeDtypeStruct((V, PROJ), jnp.float32),
        compiler_params=pltpu.CompilerParams(
            dimension_semantics=("arbitrary",)),
    )(emb, wcat)



_NC = 2
_NS = 16
_NW = _NC * _NS
_N_TOK = L * B
_PER_W = _N_TOK // _NW
_CHUNK = 64
_NCHUNK = _PER_W // _CHUNK


def _sc_gather(tok_flat, table):
    mesh = plsc.VectorSubcoreMesh(core_axis_name="c", subcore_axis_name="s")

    @functools.partial(
        pl.kernel,
        mesh=mesh,
        out_type=jax.ShapeDtypeStruct((_N_TOK, PROJ), jnp.float32),
        scratch_types=[
            pltpu.VMEM((_PER_W,), jnp.int32),
            pltpu.VMEM((_CHUNK, PROJ), jnp.float32),
            pltpu.VMEM((_CHUNK, PROJ), jnp.float32),
            pltpu.SemaphoreType.DMA,
            pltpu.SemaphoreType.DMA,
        ],
    )
    def k(tok_hbm, tbl_hbm, out_hbm, idx_v, buf0, buf1, sem0, sem1):
        wid = lax.axis_index("s") * _NC + lax.axis_index("c")
        base = wid * _PER_W
        pltpu.sync_copy(tok_hbm.at[pl.ds(base, _PER_W)], idx_v)

        bufs = (buf0, buf1)
        sems = (sem0, sem1)

        def body(i, _):
            for j in range(2):
                ci = i * 2 + j
                g = pltpu.async_copy(
                    tbl_hbm.at[idx_v.at[pl.ds(ci * _CHUNK, _CHUNK)]],
                    bufs[j], sems[j])
                g.wait()
                pltpu.sync_copy(bufs[j],
                                out_hbm.at[pl.ds(base + ci * _CHUNK, _CHUNK)])
            return 0

        lax.fori_loop(0, _NCHUNK // 2, body, 0)

    return k(tok_flat, table)




def _bilstm_body(xf_ref, xr_ref, uf_ref, bf_ref, ur_ref,
                 br_ref, hf_out, hr_out, hf_s, cf_s, hr_s, cr_s):
    t = pl.program_id(0)

    @pl.when(t == 0)
    def _():
        hf_s[...] = jnp.zeros_like(hf_s)
        cf_s[...] = jnp.zeros_like(cf_s)
        hr_s[...] = jnp.zeros_like(hr_s)
        cr_s[...] = jnp.zeros_like(cr_s)

    def step(xp, u_ref, b_ref, h_s, c_s, h_out):
        h_prev = h_s[...]
        c_prev = c_s[...]
        g = (xp
             + jnp.dot(h_prev, u_ref[...],
                       preferred_element_type=jnp.float32)
             + b_ref[...])
        i = jax.nn.sigmoid(g[:, 0:H])
        f = jax.nn.sigmoid(g[:, H:2 * H])
        gg = jnp.tanh(g[:, 2 * H:3 * H])
        o = jax.nn.sigmoid(g[:, 3 * H:4 * H])
        c = f * c_prev + i * gg
        h = o * jnp.tanh(c)
        c_s[...] = c
        h_s[...] = h
        h_out[0] = h

    step(xf_ref[0], uf_ref, bf_ref, hf_s, cf_s, hf_out)
    step(xr_ref[0], ur_ref, br_ref, hr_s, cr_s, hr_out)


def _bilstm(xp, uf, bf, ur, br):
    return pl.pallas_call(
        _bilstm_body,
        grid=(L,),
        in_specs=[
            pl.BlockSpec((1, B, 4 * H), lambda t: (t, 0, 0)),
            pl.BlockSpec((1, B, 4 * H), lambda t: (L - 1 - t, 0, 1)),
            pl.BlockSpec((H, 4 * H), lambda t: (0, 0)),
            pl.BlockSpec((1, 4 * H), lambda t: (0, 0)),
            pl.BlockSpec((H, 4 * H), lambda t: (0, 0)),
            pl.BlockSpec((1, 4 * H), lambda t: (0, 0)),
        ],
        out_specs=[
            pl.BlockSpec((1, B, H), lambda t: (t, 0, 0)),
            pl.BlockSpec((1, B, H), lambda t: (t, 0, 0)),
        ],
        out_shape=[
            jax.ShapeDtypeStruct((L, B, H), jnp.float32),
            jax.ShapeDtypeStruct((L, B, H), jnp.float32),
        ],
        scratch_shapes=[pltpu.VMEM((B, H), jnp.float32)] * 4,
        compiler_params=pltpu.CompilerParams(
            dimension_semantics=("arbitrary",)),
    )(xp, xp, uf, bf, ur, br)




def _bigru_body(hf_f_ref, hr_f_ref, hf_r_ref, hr_r_ref,
                wgf_ref, ugf_ref, bif_ref, bhf_ref,
                wgr_ref, ugr_ref, bir_ref, bhr_ref,
                hTf_o, hTr_o, avg_f_o, avg_r_o, max_f_o, max_r_o,
                hgf_s, hgr_s):
    t = pl.program_id(0)
    first = t == 0

    def step(hl, w_ref, u_ref, bi_ref, bh_ref, h_s, avg_o, max_o):
        h_prev = jnp.where(first, 0.0, h_s[...])
        gi = (jnp.dot(hl, w_ref[...], preferred_element_type=jnp.float32)
              + bi_ref[...])
        gh = (jnp.dot(h_prev, u_ref[...],
                      preferred_element_type=jnp.float32)
              + bh_ref[...])
        r = jax.nn.sigmoid(gi[:, 0:H] + gh[:, 0:H])
        z = jax.nn.sigmoid(gi[:, H:2 * H] + gh[:, H:2 * H])
        n = jnp.tanh(gi[:, 2 * H:3 * H] + r * gh[:, 2 * H:3 * H])
        h = (1.0 - z) * n + z * h_prev
        h_s[...] = h
        avg_o[...] = jnp.where(first, 0.0, avg_o[...]) + h
        max_o[...] = jnp.maximum(
            jnp.where(first, -jnp.inf, max_o[...]), h)

    hl_f = jnp.concatenate([hf_f_ref[0], hr_f_ref[0]], axis=1)
    step(hl_f, wgf_ref, ugf_ref, bif_ref, bhf_ref, hgf_s, avg_f_o, max_f_o)
    hl_r = jnp.concatenate([hf_r_ref[0], hr_r_ref[0]], axis=1)
    step(hl_r, wgr_ref, ugr_ref, bir_ref, bhr_ref, hgr_s, avg_r_o, max_r_o)

    @pl.when(t == L - 1)
    def _():
        hTf_o[...] = hgf_s[...]
        hTr_o[...] = hgr_s[...]
        avg_f_o[...] = avg_f_o[...] * (1.0 / L)
        avg_r_o[...] = avg_r_o[...] * (1.0 / L)


def _bigru(hf, hr, wgf, ugf, bif, bhf, wgr, ugr, bir, bhr):
    const2 = lambda t: (0, 0)
    seq = lambda t: (t, 0, 0)
    rev = lambda t: (L - 1 - t, 0, 0)
    bh = pl.BlockSpec((B, H), const2)
    return pl.pallas_call(
        _bigru_body,
        grid=(L,),
        in_specs=[
            pl.BlockSpec((1, B, H), seq),
            pl.BlockSpec((1, B, H), rev),
            pl.BlockSpec((1, B, H), rev),
            pl.BlockSpec((1, B, H), seq),
            pl.BlockSpec((2 * H, 3 * H), const2),
            pl.BlockSpec((H, 3 * H), const2),
            pl.BlockSpec((1, 3 * H), const2),
            pl.BlockSpec((1, 3 * H), const2),
            pl.BlockSpec((2 * H, 3 * H), const2),
            pl.BlockSpec((H, 3 * H), const2),
            pl.BlockSpec((1, 3 * H), const2),
            pl.BlockSpec((1, 3 * H), const2),
        ],
        out_specs=[bh] * 6,
        out_shape=[jax.ShapeDtypeStruct((B, H), jnp.float32)] * 6,
        scratch_shapes=[pltpu.VMEM((B, H), jnp.float32)] * 2,
        compiler_params=pltpu.CompilerParams(
            dimension_semantics=("arbitrary",)),
    )(hf, hr, hf, hr, wgf, ugf, bif, bhf, wgr, ugr, bir, bhr)




def _head_body(conc_ref, w1_ref, b1_ref, w2_ref, b2_ref, out_ref):
    hid = jnp.dot(conc_ref[...], w1_ref[...],
                  preferred_element_type=jnp.float32) + b1_ref[...]
    hid = jnp.maximum(hid, 0.0)
    out_ref[...] = jnp.dot(hid, w2_ref[...],
                           preferred_element_type=jnp.float32) + b2_ref[...]


def _head(conc, w1t, b1, w2t, b2):
    return pl.pallas_call(
        _head_body,
        out_shape=jax.ShapeDtypeStruct((B, 1), jnp.float32),
    )(conc, w1t, b1.reshape(1, LIN), w2t, b2.reshape(1, 1))




def kernel(tokens, features, emb, lw_ih_f, lw_hh_f, lb_ih_f, lb_hh_f,
           lw_ih_r, lw_hh_r, lb_ih_r, lb_hh_r, gw_ih_f, gw_hh_f, gb_ih_f,
           gb_hh_f, gw_ih_r, gw_hh_r, gb_ih_r, gb_hh_r, W1, b1, W2, b2):
    tok_flat = tokens.T.reshape(_N_TOK).astype(jnp.int32)
    wcat = jnp.concatenate([lw_ih_f.T, lw_ih_r.T], axis=1)
    table = _proj_table(emb, wcat)
    xp = _sc_gather(tok_flat, table).reshape(L, B, PROJ)

    hf, hr = _bilstm(
        xp,
        lw_hh_f.T, (lb_ih_f + lb_hh_f).reshape(1, 4 * H),
        lw_hh_r.T, (lb_ih_r + lb_hh_r).reshape(1, 4 * H),
    )

    hTf, hTr, avg_f, avg_r, max_f, max_r = _bigru(
        hf, hr,
        gw_ih_f.T, gw_hh_f.T, gb_ih_f.reshape(1, 3 * H),
        gb_hh_f.reshape(1, 3 * H),
        gw_ih_r.T, gw_hh_r.T, gb_ih_r.reshape(1, 3 * H),
        gb_hh_r.reshape(1, 3 * H),
    )

    hh = jnp.stack([hTf, hTr], axis=0).reshape(B, 2 * H)
    conc = jnp.concatenate(
        [hh, avg_f, avg_r, max_f, max_r, features], axis=1)
    return _head(conc, W1.T, b1, W2.T, b2)

# --- scband reference (transcript-rebuilt; emitter-appended) ---
"""Pipeline reference for scband-neural-net-24292335026879 (READ-ONLY COPY).

The authoritative reference and input builder live on the scoring server;
editing this copy changes nothing except your own understanding.
"""

import jax, jax.numpy as jnp
import numpy as np

H = 64
E = 300
V = 120000
NF = 4
LIN = 128
B = 1024
L = 200


def _lstm_dir(x, wih, whh, b, reverse):
    Bb = x.shape[0]
    Hh = whh.shape[1]

    def step(carry, xt):
        h, c = carry
        g = xt @ wih.T + h @ whh.T + b
        i, f, gg, o = jnp.split(g, 4, axis=-1)
        i = jax.nn.sigmoid(i)
        f = jax.nn.sigmoid(f)
        gg = jnp.tanh(gg)
        o = jax.nn.sigmoid(o)
        c = f * c + i * gg
        h = o * jnp.tanh(c)
        return (h, c), h

    xs = jnp.swapaxes(x, 0, 1)
    if reverse:
        xs = xs[::-1]
    init = (jnp.zeros((Bb, Hh), x.dtype), jnp.zeros((Bb, Hh), x.dtype))
    (hT, _), hs = jax.lax.scan(step, init, xs)
    if reverse:
        hs = hs[::-1]
    return jnp.swapaxes(hs, 0, 1), hT


def _gru_dir(x, wih, whh, bih, bhh, reverse):
    Bb = x.shape[0]
    Hh = whh.shape[1]

    def step(h, xt):
        gi = xt @ wih.T + bih
        gh = h @ whh.T + bhh
        ir, iz, inn = jnp.split(gi, 3, axis=-1)
        hr, hz, hn = jnp.split(gh, 3, axis=-1)
        r = jax.nn.sigmoid(ir + hr)
        z = jax.nn.sigmoid(iz + hz)
        n = jnp.tanh(inn + r * hn)
        h = (1.0 - z) * n + z * h
        return h, h

    xs = jnp.swapaxes(x, 0, 1)
    if reverse:
        xs = xs[::-1]
    hT, hs = jax.lax.scan(step, jnp.zeros((Bb, Hh), x.dtype), xs)
    if reverse:
        hs = hs[::-1]
    return jnp.swapaxes(hs, 0, 1), hT


def setup_inputs(seed: int = 0):
    key = jax.random.key(seed)
    ks = [jax.random.fold_in(key, i) for i in range(24)]

    def p(k, shape):
        return jax.random.normal(k, shape, dtype=jnp.float32) * 0.05

    inp = {}
    inp['tokens'] = jax.random.randint(ks[0], (B, L), 0, V)
    inp['features'] = jax.random.normal(ks[1], (B, NF), dtype=jnp.float32)
    inp['emb'] = jax.random.normal(ks[2], (V, E), dtype=jnp.float32) * 0.1
    inp['lw_ih_f'] = p(ks[3], (4 * H, E))
    inp['lw_hh_f'] = p(ks[4], (4 * H, H))
    inp['lb_ih_f'] = jnp.zeros((4 * H,), jnp.float32)
    inp['lb_hh_f'] = jnp.zeros((4 * H,), jnp.float32)
    inp['lw_ih_r'] = p(ks[5], (4 * H, E))
    inp['lw_hh_r'] = p(ks[6], (4 * H, H))
    inp['lb_ih_r'] = jnp.zeros((4 * H,), jnp.float32)
    inp['lb_hh_r'] = jnp.zeros((4 * H,), jnp.float32)
    inp['gw_ih_f'] = p(ks[7], (3 * H, 2 * H))
    inp['gw_hh_f'] = p(ks[8], (3 * H, H))
    inp['gb_ih_f'] = jnp.zeros((3 * H,), jnp.float32)
    inp['gb_hh_f'] = jnp.zeros((3 * H,), jnp.float32)
    inp['gw_ih_r'] = p(ks[9], (3 * H, 2 * H))
    inp['gw_hh_r'] = p(ks[10], (3 * H, H))
    inp['gb_ih_r'] = jnp.zeros((3 * H,), jnp.float32)
    inp['gb_hh_r'] = jnp.zeros((3 * H,), jnp.float32)
    inp['W1'] = p(ks[11], (LIN, 6 * H + NF))
    inp['b1'] = jnp.zeros((LIN,), jnp.float32)
    inp['W2'] = p(ks[12], (1, LIN))
    inp['b2'] = jnp.zeros((1,), jnp.float32)
    return inp


def reference(tokens, features, emb, lw_ih_f, lw_hh_f, lb_ih_f, lb_hh_f, lw_ih_r, lw_hh_r, lb_ih_r, lb_hh_r, gw_ih_f, gw_hh_f, gb_ih_f, gb_hh_f, gw_ih_r, gw_hh_r, gb_ih_r, gb_hh_r, W1, b1, W2, b2):
    # embedding lookup (frozen table); dropout is identity at inference
    x = jnp.take(emb, tokens, axis=0)  # [B, L, E]
    hf, _ = _lstm_dir(x, lw_ih_f, lw_hh_f, lb_ih_f + lb_hh_f, False)
    hr, _ = _lstm_dir(x, lw_ih_r, lw_hh_r, lb_ih_r + lb_hh_r, True)
    h_lstm = jnp.concatenate([hf, hr], axis=-1)  # [B, L, 2H]
    gf, hTf = _gru_dir(h_lstm, gw_ih_f, gw_hh_f, gb_ih_f, gb_hh_f, False)
    gr, hTr = _gru_dir(h_lstm, gw_ih_r, gw_hh_r, gb_ih_r, gb_hh_r, True)
    h_gru = jnp.concatenate([gf, gr], axis=-1)  # [B, L, 2H]
    # hh_gru.view(-1, 2H) on [2, B, H] (row-major, faithful to torch .view)
    hh = jnp.stack([hTf, hTr], axis=0).reshape(-1, 2 * H)  # [B, 2H]
    avg_pool = jnp.mean(h_gru, axis=1)
    max_pool = jnp.max(h_gru, axis=1)
    conc = jnp.concatenate([hh, avg_pool, max_pool, features], axis=1)
    conc = jax.nn.relu(conc @ W1.T + b1)
    out = conc @ W2.T + b2
    return out

if __name__ == "__main__":
    import jax
    _d = setup_inputs()
    print(jax.jit(kernel)(*tuple(_d.values())))

</pallas_src>

<mosaic_0001>
#map = affine_map<(d0, d1) -> (0)>
#map1 = affine_map<(d0, d1) -> (0, 0)>
module attributes {stable_mosaic.version = 14 : i64} {
  func.func @k(%arg0: i32, %arg1: i32, %arg2: memref<204800xi32, #tpu.memory_space<hbm>>, %arg3: memref<120000x512xf32, #tpu.memory_space<hbm>>, %arg4: memref<204800x512xf32, #tpu.memory_space<hbm>>, %arg5: memref<6400xi32, #tpu.memory_space<vmem>>, %arg6: memref<64x512xf32, #tpu.memory_space<vmem>>, %arg7: memref<64x512xf32, #tpu.memory_space<vmem>>, %arg8: memref<!tpu.dma_semaphore, #tpu.memory_space<semaphore_mem>>, %arg9: memref<!tpu.dma_semaphore, #tpu.memory_space<semaphore_mem>>) attributes {dimension_semantics = [#tpu.dimension_semantics<core_parallel>, #tpu.dimension_semantics<subcore_parallel>], iteration_bounds = array<i64: 2, 16>, scalar_prefetch = 0 : i64, scratch_operands = 5 : i64, tpu.core_type = #tpu.core_type<sc_vector_subcore>, window_params = [{transform_indices = #map}, {transform_indices = #map1}, {transform_indices = #map1}]} {
    %mul3A = arith.constant 2 : i32
    %mul3A_0 = arith.muli %arg1, %mul3A : i32
    %add3A = arith.addi %mul3A_0, %arg0 : i32
    %mul3A_1 = arith.constant 6400 : i32
    %mul3A_2 = arith.muli %add3A, %mul3A_1 : i32
    "tpu.region"() ({
      %run_scoped3A = tpu.sem_alloc : memref<!tpu.dma_semaphore, #tpu.memory_space<semaphore_mem>>
      %dma_start3A = tpu.memref_slice %arg2[%mul3A_2] : memref<204800xi32, #tpu.memory_space<hbm>> -> memref<6400xi32, #tpu.memory_space<hbm>>
      %dma_start3A_9 = tpu.memref_slice %arg2[%mul3A_2] : memref<204800xi32, #tpu.memory_space<hbm>> -> memref<6400xi32, #tpu.memory_space<hbm>>
      tpu.enqueue_dma source(%dma_start3A_9 : memref<6400xi32, #tpu.memory_space<hbm>>) target(%arg5 : memref<6400xi32, #tpu.memory_space<vmem>>) target_semaphore(%run_scoped3A : memref<!tpu.dma_semaphore, #tpu.memory_space<semaphore_mem>>)
      %dma_wait3A = tpu.memref_slice %arg2[%mul3A_2] : memref<204800xi32, #tpu.memory_space<hbm>> -> memref<6400xi32, #tpu.memory_space<hbm>>
      %dma_wait3A_10 = tpu.memref_slice %arg2[%mul3A_2] : memref<204800xi32, #tpu.memory_space<hbm>> -> memref<6400xi32, #tpu.memory_space<hbm>>
      tpu.wait_dma2 semaphore(%run_scoped3A : memref<!tpu.dma_semaphore, #tpu.memory_space<semaphore_mem>>) src(%dma_wait3A_10 : memref<6400xi32, #tpu.memory_space<hbm>>) dst(%arg5 : memref<6400xi32, #tpu.memory_space<vmem>>)
      tpu.yield
    }) : () -> ()
    %scan3A = arith.constant 0 : i32
    %scan3A_3 = arith.constant 0 : i32
    %scan3A_4 = arith.constant 50 : i32
    %scan3A_5 = arith.addi %scan3A_3, %scan3A_4 : i32
    %scan3A_6 = arith.constant 1 : i32
    %scan3A_7 = scf.for %scan3A_9 = %scan3A_3 to %scan3A_5 step %scan3A_6 iter_args(%scan3A_10 = %scan3A) -> (i32)  : i32 {
      %mul3A_11 = arith.constant 2 : i32
      %mul3A_12 = arith.muli %scan3A_9, %mul3A_11 : i32
      %add3A_13 = arith.constant 0 : i32
      %add3A_14 = arith.addi %mul3A_12, %add3A_13 : i32
      %mul3A_15 = arith.constant 64 : i32
      %mul3A_16 = arith.muli %add3A_14, %mul3A_15 : i32
      %dma_start3A = tpu.memref_slice %arg5[%mul3A_16] : memref<6400xi32, #tpu.memory_space<vmem>> -> memref<64xi32, #tpu.memory_space<vmem>>
      %dma_start3A_17 = arith.constant 0 : i32
      %dma_start3A_18 = arith.constant 0 : i32
      %dma_start3A_19 = tpu.memref_slice %arg3[%dma_start3A_17, %dma_start3A_18] : memref<120000x512xf32, #tpu.memory_space<hbm>> -> memref<120000x512xf32, #tpu.memory_space<hbm>>
      tpu.enqueue_indirect_dma source(%dma_start3A_19 : memref<120000x512xf32, #tpu.memory_space<hbm>>) target(%arg6 : memref<64x512xf32, #tpu.memory_space<vmem>>) offsets(%dma_start3A : memref<64xi32, #tpu.memory_space<vmem>>) semaphore(%arg8 : memref<!tpu.dma_semaphore, #tpu.memory_space<semaphore_mem>>)
      %dma_wait3A = tpu.memref_slice %arg5[%mul3A_16] : memref<6400xi32, #tpu.memory_space<vmem>> -> memref<64xi32, #tpu.memory_space<vmem>>
      %dma_wait3A_20 = arith.constant 0 : i32
      %dma_wait3A_21 = arith.constant 0 : i32
      %dma_wait3A_22 = tpu.memref_slice %arg3[%dma_wait3A_20, %dma_wait3A_21] : memref<120000x512xf32, #tpu.memory_space<hbm>> -> memref<120000x512xf32, #tpu.memory_space<hbm>>
      tpu.wait_indirect_dma semaphore(%arg8 : memref<!tpu.dma_semaphore, #tpu.memory_space<semaphore_mem>>) src(%dma_wait3A_22 : memref<120000x512xf32, #tpu.memory_space<hbm>>) dst(%arg6 : memref<64x512xf32, #tpu.memory_space<vmem>>)
      %mul3A_23 = arith.constant 64 : i32
      %mul3A_24 = arith.muli %add3A_14, %mul3A_23 : i32
      %add3A_25 = arith.addi %mul3A_2, %mul3A_24 : i32
      "tpu.region"() ({
        %run_scoped3A = tpu.sem_alloc : memref<!tpu.dma_semaphore, #tpu.memory_space<semaphore_mem>>
        %dma_start3A_44 = arith.constant 0 : i32
        %dma_start3A_45 = tpu.memref_slice %arg4[%add3A_25, %dma_start3A_44] : memref<204800x512xf32, #tpu.memory_space<hbm>> -> memref<64x512xf32, #tpu.memory_space<hbm>>
        %dma_start3A_46 = arith.constant 0 : i32
        %dma_start3A_47 = tpu.memref_slice %arg4[%add3A_25, %dma_start3A_46] : memref<204800x512xf32, #tpu.memory_space<hbm>> -> memref<64x512xf32, #tpu.memory_space<hbm>>
        tpu.enqueue_dma source(%arg6 : memref<64x512xf32, #tpu.memory_space<vmem>>) target(%dma_start3A_47 : memref<64x512xf32, #tpu.memory_space<hbm>>) target_semaphore(%run_scoped3A : memref<!tpu.dma_semaphore, #tpu.memory_space<semaphore_mem>>)
        %dma_wait3A_48 = arith.constant 0 : i32
        %dma_wait3A_49 = tpu.memref_slice %arg4[%add3A_25, %dma_wait3A_48] : memref<204800x512xf32, #tpu.memory_space<hbm>> -> memref<64x512xf32, #tpu.memory_space<hbm>>
        %dma_wait3A_50 = arith.constant 0 : i32
        %dma_wait3A_51 = tpu.memref_slice %arg4[%add3A_25, %dma_wait3A_50] : memref<204800x512xf32, #tpu.memory_space<hbm>> -> memref<64x512xf32, #tpu.memory_space<hbm>>
        tpu.wait_dma2 semaphore(%run_scoped3A : memref<!tpu.dma_semaphore, #tpu.memory_space<semaphore_mem>>) src(%arg6 : memref<64x512xf32, #tpu.memory_space<vmem>>) dst(%dma_wait3A_51 : memref<64x512xf32, #tpu.memory_space<hbm>>)
        tpu.yield
      }) : () -> ()
      %mul3A_26 = arith.constant 2 : i32
      %mul3A_27 = arith.muli %scan3A_9, %mul3A_26 : i32
      %add3A_28 = arith.constant 1 : i32
      %add3A_29 = arith.addi %mul3A_27, %add3A_28 : i32
      %mul3A_30 = arith.constant 64 : i32
      %mul3A_31 = arith.muli %add3A_29, %mul3A_30 : i32
      %dma_start3A_32 = tpu.memref_slice %arg5[%mul3A_31] : memref<6400xi32, #tpu.memory_space<vmem>> -> memref<64xi32, #tpu.memory_space<vmem>>
      %dma_start3A_33 = arith.constant 0 : i32
      %dma_start3A_34 = arith.constant 0 : i32
      %dma_start3A_35 = tpu.memref_slice %arg3[%dma_start3A_33, %dma_start3A_34] : memref<120000x512xf32, #tpu.memory_space<hbm>> -> memref<120000x512xf32, #tpu.memory_space<hbm>>
      tpu.enqueue_indirect_dma source(%dma_start3A_35 : memref<120000x512xf32, #tpu.memory_space<hbm>>) target(%arg7 : memref<64x512xf32, #tpu.memory_space<vmem>>) offsets(%dma_start3A_32 : memref<64xi32, #tpu.memory_space<vmem>>) semaphore(%arg9 : memref<!tpu.dma_semaphore, #tpu.memory_space<semaphore_mem>>)
      %dma_wait3A_36 = tpu.memref_slice %arg5[%mul3A_31] : memref<6400xi32, #tpu.memory_space<vmem>> -> memref<64xi32, #tpu.memory_space<vmem>>
      %dma_wait3A_37 = arith.constant 0 : i32
      %dma_wait3A_38 = arith.constant 0 : i32
      %dma_wait3A_39 = tpu.memref_slice %arg3[%dma_wait3A_37, %dma_wait3A_38] : memref<120000x512xf32, #tpu.memory_space<hbm>> -> memref<120000x512xf32, #tpu.memory_space<hbm>>
      tpu.wait_indirect_dma semaphore(%arg9 : memref<!tpu.dma_semaphore, #tpu.memory_space<semaphore_mem>>) src(%dma_wait3A_39 : memref<120000x512xf32, #tpu.memory_space<hbm>>) dst(%arg7 : memref<64x512xf32, #tpu.memory_space<vmem>>)
      %mul3A_40 = arith.constant 64 : i32
      %mul3A_41 = arith.muli %add3A_29, %mul3A_40 : i32
      %add3A_42 = arith.addi %mul3A_2, %mul3A_41 : i32
      "tpu.region"() ({
        %run_scoped3A = tpu.sem_alloc : memref<!tpu.dma_semaphore, #tpu.memory_space<semaphore_mem>>
        %dma_start3A_44 = arith.constant 0 : i32
        %dma_start3A_45 = tpu.memref_slice %arg4[%add3A_42, %dma_start3A_44] : memref<204800x512xf32, #tpu.memory_space<hbm>> -> memref<64x512xf32, #tpu.memory_space<hbm>>
        %dma_start3A_46 = arith.constant 0 : i32
        %dma_start3A_47 = tpu.memref_slice %arg4[%add3A_42, %dma_start3A_46] : memref<204800x512xf32, #tpu.memory_space<hbm>> -> memref<64x512xf32, #tpu.memory_space<hbm>>
        tpu.enqueue_dma source(%arg7 : memref<64x512xf32, #tpu.memory_space<vmem>>) target(%dma_start3A_47 : memref<64x512xf32, #tpu.memory_space<hbm>>) target_semaphore(%run_scoped3A : memref<!tpu.dma_semaphore, #tpu.memory_space<semaphore_mem>>)
        %dma_wait3A_48 = arith.constant 0 : i32
        %dma_wait3A_49 = tpu.memref_slice %arg4[%add3A_42, %dma_wait3A_48] : memref<204800x512xf32, #tpu.memory_space<hbm>> -> memref<64x512xf32, #tpu.memory_space<hbm>>
        %dma_wait3A_50 = arith.constant 0 : i32
        %dma_wait3A_51 = tpu.memref_slice %arg4[%add3A_42, %dma_wait3A_50] : memref<204800x512xf32, #tpu.memory_space<hbm>> -> memref<64x512xf32, #tpu.memory_space<hbm>>
        tpu.wait_dma2 semaphore(%run_scoped3A : memref<!tpu.dma_semaphore, #tpu.memory_space<semaphore_mem>>) src(%arg7 : memref<64x512xf32, #tpu.memory_space<vmem>>) dst(%dma_wait3A_51 : memref<64x512xf32, #tpu.memory_space<hbm>>)
        tpu.yield
      }) : () -> ()
      %scan3A_43 = arith.constant 0 : i32
      scf.yield %scan3A_43 : i32
    }
    %scan3A_8 = arith.constant 50 : i32
    return
  }
}

module attributes {stable_mosaic.version = 14 : i64} {
  func.func @_proj_body(%arg0: i32, %arg1: memref<3000x300xf32, #tpu.memory_space<vmem>>, %arg2: memref<300x512xf32, #tpu.memory_space<vmem>>, %arg3: memref<3000x512xf32, #tpu.memory_space<vmem>>) attributes {dimension_semantics = [#tpu.dimension_semantics<arbitrary>], iteration_bounds = array<i64: 40>, scalar_prefetch = 0 : i64, scratch_operands = 0 : i64, tpu.core_type = #tpu.core_type<tc>, window_params = [{transform_indices = @transform_0, window_bounds = array<i64: 3000, 300>}, {pipeline_mode = #tpu.pipeline_mode<synchronous>, transform_indices = @transform_1, window_bounds = array<i64: 300, 512>}, {transform_indices = @transform_2, window_bounds = array<i64: 3000, 512>}]} {
    %get3A = arith.constant 0 : index
    %get3A_0 = arith.constant 0 : index
    %get3A_1 = vector.load %arg1[%get3A, %get3A_0] : memref<3000x300xf32, #tpu.memory_space<vmem>>, vector<3000x300xf32>
    %get3A_2 = arith.constant 0 : index
    %get3A_3 = arith.constant 0 : index
    %get3A_4 = vector.load %arg2[%get3A_2, %get3A_3] : memref<300x512xf32, #tpu.memory_space<vmem>>, vector<300x512xf32>
    %dot_general3A = arith.constant dense<0.000000e+00> : vector<3000x512xf32>
    %dot_general3A_5 = tpu.matmul %get3A_1, %get3A_4, %dot_general3A {dimension_numbers = #tpu.dot_dimension_numbers<[1], [0], [0], [1], [0, 0, 1, 1], [], []>, transpose_lhs_hint = false} : vector<3000x300xf32>, vector<300x512xf32>, vector<3000x512xf32> -> vector<3000x512xf32>
    %swap3A = arith.constant 0 : index
    %swap3A_6 = arith.constant 0 : index
    %swap3A_7 = vector.load %arg3[%swap3A, %swap3A_6] : memref<3000x512xf32, #tpu.memory_space<vmem>>, vector<3000x512xf32>
    tpu.vector_store %arg3[%swap3A, %swap3A_6], %dot_general3A_5 {strides = array<i32>} : memref<3000x512xf32, #tpu.memory_space<vmem>>, vector<3000x512xf32>,
    return
  }
  func.func @transform_0(%arg0: i32) -> (i32, i32) {
    %c0_i32 = arith.constant 0 : i32
    %c0_i32_0 = arith.constant 0 : i32
    return %arg0, %c0_i32 : i32, i32
  }
  func.func @transform_1(%arg0: i32) -> (i32, i32) {
    %c0_i32 = arith.constant 0 : i32
    %c0_i32_0 = arith.constant 0 : i32
    %c0_i32_1 = arith.constant 0 : i32
    return %c0_i32, %c0_i32_0 : i32, i32
  }
  func.func @transform_2(%arg0: i32) -> (i32, i32) {
    %c0_i32 = arith.constant 0 : i32
    %c0_i32_0 = arith.constant 0 : i32
    return %arg0, %c0_i32 : i32, i32
  }
}

module attributes {stable_mosaic.version = 14 : i64} {
  func.func @_bilstm_body(%arg0: i32, %arg1: memref<1x1024x256xf32, #tpu.memory_space<vmem>>, %arg2: memref<1x1024x256xf32, #tpu.memory_space<vmem>>, %arg3: memref<64x256xf32, #tpu.memory_space<vmem>>, %arg4: memref<1x256xf32, #tpu.memory_space<vmem>>, %arg5: memref<64x256xf32, #tpu.memory_space<vmem>>, %arg6: memref<1x256xf32, #tpu.memory_space<vmem>>, %arg7: memref<1x1024x64xf32, #tpu.memory_space<vmem>>, %arg8: memref<1x1024x64xf32, #tpu.memory_space<vmem>>, %arg9: memref<1024x64xf32, #tpu.memory_space<vmem>>, %arg10: memref<1024x64xf32, #tpu.memory_space<vmem>>, %arg11: memref<1024x64xf32, #tpu.memory_space<vmem>>, %arg12: memref<1024x64xf32, #tpu.memory_space<vmem>>) attributes {dimension_semantics = [#tpu.dimension_semantics<arbitrary>], iteration_bounds = array<i64: 200>, scalar_prefetch = 0 : i64, scratch_operands = 4 : i64, tpu.core_type = #tpu.core_type<tc>, window_params = [{transform_indices = @transform_0, window_bounds = array<i64: 1, 1024, 256>}, {transform_indices = @transform_1, window_bounds = array<i64: 1, 1024, 256>}, {pipeline_mode = #tpu.pipeline_mode<synchronous>, transform_indices = @transform_2, window_bounds = array<i64: 64, 256>}, {pipeline_mode = #tpu.pipeline_mode<synchronous>, transform_indices = @transform_3, window_bounds = array<i64: 1, 256>}, {pipeline_mode = #tpu.pipeline_mode<synchronous>, transform_indices = @transform_4, window_bounds = array<i64: 64, 256>}, {pipeline_mode = #tpu.pipeline_mode<synchronous>, transform_indices = @transform_5, window_bounds = array<i64: 1, 256>}, {transform_indices = @transform_6, window_bounds = array<i64: 1, 1024, 64>}, {transform_indices = @transform_7, window_bounds = array<i64: 1, 1024, 64>}]} {
    %eq3A = arith.constant 0 : i32
    %eq3A_0 = arith.cmpi eq, %arg0, %eq3A : i32
    %convert_element_type3A = arith.extui %eq3A_0 : i1 to i32
    %cond3A = arith.constant 0 : i32
    %cond3A_1 = arith.cmpi ne, %convert_element_type3A, %cond3A : i32
    scf.if %cond3A_1 {
      %broadcast_in_dim3A = arith.constant 0.000000e+00 : f32
      %broadcast_in_dim3A_118 = vector.broadcast %broadcast_in_dim3A : f32 to vector<1024x64xf32>
      %swap3A_119 = arith.constant 0 : index
      %swap3A_120 = arith.constant 0 : index
      %swap3A_121 = vector.load %arg9[%swap3A_119, %swap3A_120] : memref<1024x64xf32, #tpu.memory_space<vmem>>, vector<1024x64xf32>
      tpu.vector_store %arg9[%swap3A_119, %swap3A_120], %broadcast_in_dim3A_118 {strides = array<i32>} : memref<1024x64xf32, #tpu.memory_space<vmem>>, vector<1024x64xf32>,
      %broadcast_in_dim3A_122 = arith.constant 0.000000e+00 : f32
      %broadcast_in_dim3A_123 = vector.broadcast %broadcast_in_dim3A_122 : f32 to vector<1024x64xf32>
      %swap3A_124 = arith.constant 0 : index
      %swap3A_125 = arith.constant 0 : index
      %swap3A_126 = vector.load %arg10[%swap3A_124, %swap3A_125] : memref<1024x64xf32, #tpu.memory_space<vmem>>, vector<1024x64xf32>
      tpu.vector_store %arg10[%swap3A_124, %swap3A_125], %broadcast_in_dim3A_123 {strides = array<i32>} : memref<1024x64xf32, #tpu.memory_space<vmem>>, vector<1024x64xf32>,
      %broadcast_in_dim3A_127 = arith.constant 0.000000e+00 : f32
      %broadcast_in_dim3A_128 = vector.broadcast %broadcast_in_dim3A_127 : f32 to vector<1024x64xf32>
      %swap3A_129 = arith.constant 0 : index
      %swap3A_130 = arith.constant 0 : index
      %swap3A_131 = vector.load %arg11[%swap3A_129, %swap3A_130] : memref<1024x64xf32, #tpu.memory_space<vmem>>, vector<1024x64xf32>
      tpu.vector_store %arg11[%swap3A_129, %swap3A_130], %broadcast_in_dim3A_128 {strides = array<i32>} : memref<1024x64xf32, #tpu.memory_space<vmem>>, vector<1024x64xf32>,
      %broadcast_in_dim3A_132 = arith.constant 0.000000e+00 : f32
      %broadcast_in_dim3A_133 = vector.broadcast %broadcast_in_dim3A_132 : f32 to vector<1024x64xf32>
      %swap3A_134 = arith.constant 0 : index
      %swap3A_135 = arith.constant 0 : index
      %swap3A_136 = vector.load %arg12[%swap3A_134, %swap3A_135] : memref<1024x64xf32, #tpu.memory_space<vmem>>, vector<1024x64xf32>
      tpu.vector_store %arg12[%swap3A_134, %swap3A_135], %broadcast_in_dim3A_133 {strides = array<i32>} : memref<1024x64xf32, #tpu.memory_space<vmem>>, vector<1024x64xf32>,
    } else {
    }
    %get3A = arith.constant 0 : index
    %get3A_2 = arith.constant 0 : index
    %get3A_3 = arith.constant 0 : index
    %get3A_4 = vector.load %arg1[%get3A, %get3A_2, %get3A_3] : memref<1x1024x256xf32, #tpu.memory_space<vmem>>, vector<1x1024x256xf32>
    %get3A_5 = vector.shape_cast %get3A_4 : vector<1x1024x256xf32> to vector<1024x256xf32>
    %get3A_6 = arith.constant 0 : index
    %get3A_7 = arith.constant 0 : index
    %get3A_8 = vector.load %arg9[%get3A_6, %get3A_7] : memref<1024x64xf32, #tpu.memory_space<vmem>>, vector<1024x64xf32>
    %get3A_9 = arith.constant 0 : index
    %get3A_10 = arith.constant 0 : index
    %get3A_11 = vector.load %arg10[%get3A_9, %get3A_10] : memref<1024x64xf32, #tpu.memory_space<vmem>>, vector<1024x64xf32>
    %get3A_12 = arith.constant 0 : index
    %get3A_13 = arith.constant 0 : index
    %get3A_14 = vector.load %arg3[%get3A_12, %get3A_13] : memref<64x256xf32, #tpu.memory_space<vmem>>, vector<64x256xf32>
    %dot_general3A = arith.constant dense<0.000000e+00> : vector<1024x256xf32>
    %dot_general3A_15 = tpu.matmul %get3A_8, %get3A_14, %dot_general3A {dimension_numbers = #tpu.dot_dimension_numbers<[1], [0], [0], [1], [0, 0, 1, 1], [], []>, transpose_lhs_hint = false} : vector<1024x64xf32>, vector<64x256xf32>, vector<1024x256xf32> -> vector<1024x256xf32>
    %add3A = arith.addf %get3A_5, %dot_general3A_15 : vector<1024x256xf32>
    %get3A_16 = arith.constant 0 : index
    %get3A_17 = arith.constant 0 : index
    %get3A_18 = vector.load %arg4[%get3A_16, %get3A_17] : memref<1x256xf32, #tpu.memory_space<vmem>>, vector<1x256xf32>
    %add3A_19 = vector.broadcast %get3A_18 : vector<1x256xf32> to vector<1024x256xf32>
    %add3A_20 = arith.addf %add3A, %add3A_19 : vector<1024x256xf32>
    %slice3A = vector.extract_strided_slice %add3A_20 {offsets = [0, 0], sizes = [1024, 64], strides = [1, 1]} : vector<1024x256xf32> to vector<1024x64xf32>
    %logistic3A = arith.negf %slice3A : vector<1024x64xf32>
    %logistic3A_21 = math.exp %logistic3A : vector<1024x64xf32>
    %logistic3A_22 = arith.constant 1.000000e+00 : f32
    %logistic3A_23 = vector.broadcast %logistic3A_22 : f32 to vector<1024x64xf32>
    %logistic3A_24 = arith.addf %logistic3A_23, %logistic3A_21 : vector<1024x64xf32>
    %logistic3A_25 = arith.divf %logistic3A_23, %logistic3A_24 : vector<1024x64xf32>
    %slice3A_26 = vector.extract_strided_slice %add3A_20 {offsets = [0, 64], sizes = [1024, 64], strides = [1, 1]} : vector<1024x256xf32> to vector<1024x64xf32>
    %logistic3A_27 = arith.negf %slice3A_26 : vector<1024x64xf32>
    %logistic3A_28 = math.exp %logistic3A_27 : vector<1024x64xf32>
    %logistic3A_29 = arith.constant 1.000000e+00 : f32
    %logistic3A_30 = vector.broadcast %logistic3A_29 : f32 to vector<1024x64xf32>
    %logistic3A_31 = arith.addf %logistic3A_30, %logistic3A_28 : vector<1024x64xf32>
    %logistic3A_32 = arith.divf %logistic3A_30, %logistic3A_31 : vector<1024x64xf32>
    %slice3A_33 = vector.extract_strided_slice %add3A_20 {offsets = [0, 128], sizes = [1024, 64], strides = [1, 1]} : vector<1024x256xf32> to vector<1024x64xf32>
    %tanh3A = math.tanh %slice3A_33 : vector<1024x64xf32>
    %slice3A_34 = vector.extract_strided_slice %add3A_20 {offsets = [0, 192], sizes = [1024, 64], strides = [1, 1]} : vector<1024x256xf32> to vector<1024x64xf32>
    %logistic3A_35 = arith.negf %slice3A_34 : vector<1024x64xf32>
    %logistic3A_36 = math.exp %logistic3A_35 : vector<1024x64xf32>
    %logistic3A_37 = arith.constant 1.000000e+00 : f32
    %logistic3A_38 = vector.broadcast %logistic3A_37 : f32 to vector<1024x64xf32>
    %logistic3A_39 = arith.addf %logistic3A_38, %logistic3A_36 : vector<1024x64xf32>
    %logistic3A_40 = arith.divf %logistic3A_38, %logistic3A_39 : vector<1024x64xf32>
    %mul3A = arith.mulf %logistic3A_32, %get3A_11 : vector<1024x64xf32>
    %mul3A_41 = arith.mulf %logistic3A_25, %tanh3A : vector<1024x64xf32>
    %add3A_42 = arith.addf %mul3A, %mul3A_41 : vector<1024x64xf32>
    %tanh3A_43 = math.tanh %add3A_42 : vector<1024x64xf32>
    %mul3A_44 = arith.mulf %logistic3A_40, %tanh3A_43 : vector<1024x64xf32>
    %swap3A = arith.constant 0 : index
    %swap3A_45 = arith.constant 0 : index
    %swap3A_46 = vector.load %arg10[%swap3A, %swap3A_45] : memref<1024x64xf32, #tpu.memory_space<vmem>>, vector<1024x64xf32>
    tpu.vector_store %arg10[%swap3A, %swap3A_45], %add3A_42 {strides = array<i32>} : memref<1024x64xf32, #tpu.memory_space<vmem>>, vector<1024x64xf32>,
    %swap3A_47 = arith.constant 0 : index
    %swap3A_48 = arith.constant 0 : index
    %swap3A_49 = vector.load %arg9[%swap3A_47, %swap3A_48] : memref<1024x64xf32, #tpu.memory_space<vmem>>, vector<1024x64xf32>
    tpu.vector_store %arg9[%swap3A_47, %swap3A_48], %mul3A_44 {strides = array<i32>} : memref<1024x64xf32, #tpu.memory_space<vmem>>, vector<1024x64xf32>,
    %swap3A_50 = arith.constant 0 : index
    %swap3A_51 = arith.constant 0 : index
    %swap3A_52 = arith.constant 0 : index
    %swap3A_53 = vector.load %arg7[%swap3A_50, %swap3A_51, %swap3A_52] : memref<1x1024x64xf32, #tpu.memory_space<vmem>>, vector<1x1024x64xf32>
    %swap3A_54 = vector.shape_cast %swap3A_53 : vector<1x1024x64xf32> to vector<1024x64xf32>
    %swap3A_55 = vector.shape_cast %mul3A_44 : vector<1024x64xf32> to vector<1x1024x64xf32>
    tpu.vector_store %arg7[%swap3A_50, %swap3A_51, %swap3A_52], %swap3A_55 {strides = array<i32>} : memref<1x1024x64xf32, #tpu.memory_space<vmem>>, vector<1x1024x64xf32>,
    %get3A_56 = arith.constant 0 : index
    %get3A_57 = arith.constant 0 : index
    %get3A_58 = arith.constant 0 : index
    %get3A_59 = vector.load %arg2[%get3A_56, %get3A_57, %get3A_58] : memref<1x1024x256xf32, #tpu.memory_space<vmem>>, vector<1x1024x256xf32>
    %get3A_60 = vector.shape_cast %get3A_59 : vector<1x1024x256xf32> to vector<1024x256xf32>
    %get3A_61 = arith.constant 0 : index
    %get3A_62 = arith.constant 0 : index
    %get3A_63 = vector.load %arg11[%get3A_61, %get3A_62] : memref<1024x64xf32, #tpu.memory_space<vmem>>, vector<1024x64xf32>
    %get3A_64 = arith.constant 0 : index
    %get3A_65 = arith.constant 0 : index
    %get3A_66 = vector.load %arg12[%get3A_64, %get3A_65] : memref<1024x64xf32, #tpu.memory_space<vmem>>, vector<1024x64xf32>
    %get3A_67 = arith.constant 0 : index
    %get3A_68 = arith.constant 0 : index
    %get3A_69 = vector.load %arg5[%get3A_67, %get3A_68] : memref<64x256xf32, #tpu.memory_space<vmem>>, vector<64x256xf32>
    %dot_general3A_70 = arith.constant dense<0.000000e+00> : vector<1024x256xf32>
    %dot_general3A_71 = tpu.matmul %get3A_63, %get3A_69, %dot_general3A_70 {dimension_numbers = #tpu.dot_dimension_numbers<[1], [0], [0], [1], [0, 0, 1, 1], [], []>, transpose_lhs_hint = false} : vector<1024x64xf32>, vector<64x256xf32>, vector<1024x256xf32> -> vector<1024x256xf32>
    %add3A_72 = arith.addf %get3A_60, %dot_general3A_71 : vector<1024x256xf32>
    %get3A_73 = arith.constant 0 : index
    %get3A_74 = arith.constant 0 : index
    %get3A_75 = vector.load %arg6[%get3A_73, %get3A_74] : memref<1x256xf32, #tpu.memory_space<vmem>>, vector<1x256xf32>
    %add3A_76 = vector.broadcast %get3A_75 : vector<1x256xf32> to vector<1024x256xf32>
    %add3A_77 = arith.addf %add3A_72, %add3A_76 : vector<1024x256xf32>
    %slice3A_78 = vector.extract_strided_slice %add3A_77 {offsets = [0, 0], sizes = [1024, 64], strides = [1, 1]} : vector<1024x256xf32> to vector<1024x64xf32>
    %logistic3A_79 = arith.negf %slice3A_78 : vector<1024x64xf32>
    %logistic3A_80 = math.exp %logistic3A_79 : vector<1024x64xf32>
    %logistic3A_81 = arith.constant 1.000000e+00 : f32
    %logistic3A_82 = vector.broadcast %logistic3A_81 : f32 to vector<1024x64xf32>
    %logistic3A_83 = arith.addf %logistic3A_82, %logistic3A_80 : vector<1024x64xf32>
    %logistic3A_84 = arith.divf %logistic3A_82, %logistic3A_83 : vector<1024x64xf32>
    %slice3A_85 = vector.extract_strided_slice %add3A_77 {offsets = [0, 64], sizes = [1024, 64], strides = [1, 1]} : vector<1024x256xf32> to vector<1024x64xf32>
    %logistic3A_86 = arith.negf %slice3A_85 : vector<1024x64xf32>
    %logistic3A_87 = math.exp %logistic3A_86 : vector<1024x64xf32>
    %logistic3A_88 = arith.constant 1.000000e+00 : f32
    %logistic3A_89 = vector.broadcast %logistic3A_88 : f32 to vector<1024x64xf32>
    %logistic3A_90 = arith.addf %logistic3A_89, %logistic3A_87 : vector<1024x64xf32>
    %logistic3A_91 = arith.divf %logistic3A_89, %logistic3A_90 : vector<1024x64xf32>
    %slice3A_92 = vector.extract_strided_slice %add3A_77 {offsets = [0, 128], sizes = [1024, 64], strides = [1, 1]} : vector<1024x256xf32> to vector<1024x64xf32>
    %tanh3A_93 = math.tanh %slice3A_92 : vector<1024x64xf32>
    %slice3A_94 = vector.extract_strided_slice %add3A_77 {offsets = [0, 192], sizes = [1024, 64], strides = [1, 1]} : vector<1024x256xf32> to vector<1024x64xf32>
    %logistic3A_95 = arith.negf %slice3A_94 : vector<1024x64xf32>
    %logistic3A_96 = math.exp %logistic3A_95 : vector<1024x64xf32>
    %logistic3A_97 = arith.constant 1.000000e+00 : f32
    %logistic3A_98 = vector.broadcast %logistic3A_97 : f32 to vector<1024x64xf32>
    %logistic3A_99 = arith.addf %logistic3A_98, %logistic3A_96 : vector<1024x64xf32>
    %logistic3A_100 = arith.divf %logistic3A_98, %logistic3A_99 : vector<1024x64xf32>
    %mul3A_101 = arith.mulf %logistic3A_91, %get3A_66 : vector<1024x64xf32>
    %mul3A_102 = arith.mulf %logistic3A_84, %tanh3A_93 : vector<1024x64xf32>
    %add3A_103 = arith.addf %mul3A_101, %mul3A_102 : vector<1024x64xf32>
    %tanh3A_104 = math.tanh %add3A_103 : vector<1024x64xf32>
    %mul3A_105 = arith.mulf %logistic3A_100, %tanh3A_104 : vector<1024x64xf32>
    %swap3A_106 = arith.constant 0 : index
    %swap3A_107 = arith.constant 0 : index
    %swap3A_108 = vector.load %arg12[%swap3A_106, %swap3A_107] : memref<1024x64xf32, #tpu.memory_space<vmem>>, vector<1024x64xf32>
    tpu.vector_store %arg12[%swap3A_106, %swap3A_107], %add3A_103 {strides = array<i32>} : memref<1024x64xf32, #tpu.memory_space<vmem>>, vector<1024x64xf32>,
    %swap3A_109 = arith.constant 0 : index
    %swap3A_110 = arith.constant 0 : index
    %swap3A_111 = vector.load %arg11[%swap3A_109, %swap3A_110] : memref<1024x64xf32, #tpu.memory_space<vmem>>, vector<1024x64xf32>
    tpu.vector_store %arg11[%swap3A_109, %swap3A_110], %mul3A_105 {strides = array<i32>} : memref<1024x64xf32, #tpu.memory_space<vmem>>, vector<1024x64xf32>,
    %swap3A_112 = arith.constant 0 : index
    %swap3A_113 = arith.constant 0 : index
    %swap3A_114 = arith.constant 0 : index
    %swap3A_115 = vector.load %arg8[%swap3A_112, %swap3A_113, %swap3A_114] : memref<1x1024x64xf32, #tpu.memory_space<vmem>>, vector<1x1024x64xf32>
    %swap3A_116 = vector.shape_cast %swap3A_115 : vector<1x1024x64xf32> to vector<1024x64xf32>
    %swap3A_117 = vector.shape_cast %mul3A_105 : vector<1024x64xf32> to vector<1x1024x64xf32>
    tpu.vector_store %arg8[%swap3A_112, %swap3A_113, %swap3A_114], %swap3A_117 {strides = array<i32>} : memref<1x1024x64xf32, #tpu.memory_space<vmem>>, vector<1x1024x64xf32>,
    return
  }
  func.func @transform_0(%arg0: i32) -> (i32, i32, i32) {
    %c0_i32 = arith.constant 0 : i32
    %c0_i32_0 = arith.constant 0 : i32
    %c0_i32_1 = arith.constant 0 : i32
    return %arg0, %c0_i32, %c0_i32_0 : i32, i32, i32
  }
  func.func @transform_1(%arg0: i32) -> (i32, i32, i32) {
    %sub3A = arith.constant 199 : i32
    %sub3A_0 = arith.subi %sub3A, %arg0 : i32
    %c0_i32 = arith.constant 0 : i32
    %c1_i32 = arith.constant 1 : i32
    %c0_i32_1 = arith.constant 0 : i32
    return %sub3A_0, %c0_i32, %c1_i32 : i32, i32, i32
  }
  func.func @transform_2(%arg0: i32) -> (i32, i32) {
    %c0_i32 = arith.constant 0 : i32
    %c0_i32_0 = arith.constant 0 : i32
    %c0_i32_1 = arith.constant 0 : i32
    return %c0_i32, %c0_i32_0 : i32, i32
  }
  func.func @transform_3(%arg0: i32) -> (i32, i32) {
    %c0_i32 = arith.constant 0 : i32
    %c0_i32_0 = arith.constant 0 : i32
    %c0_i32_1 = arith.constant 0 : i32
    return %c0_i32, %c0_i32_0 : i32, i32
  }
  func.func @transform_4(%arg0: i32) -> (i32, i32) {
    %c0_i32 = arith.constant 0 : i32
    %c0_i32_0 = arith.constant 0 : i32
    %c0_i32_1 = arith.constant 0 : i32
    return %c0_i32, %c0_i32_0 : i32, i32
  }
  func.func @transform_5(%arg0: i32) -> (i32, i32) {
    %c0_i32 = arith.constant 0 : i32
    %c0_i32_0 = arith.constant 0 : i32
    %c0_i32_1 = arith.constant 0 : i32
    return %c0_i32, %c0_i32_0 : i32, i32
  }
  func.func @transform_6(%arg0: i32) -> (i32, i32, i32) {
    %c0_i32 = arith.constant 0 : i32
    %c0_i32_0 = arith.constant 0 : i32
    %c0_i32_1 = arith.constant 0 : i32
    return %arg0, %c0_i32, %c0_i32_0 : i32, i32, i32
  }
  func.func @transform_7(%arg0: i32) -> (i32, i32, i32) {
    %c0_i32 = arith.constant 0 : i32
    %c0_i32_0 = arith.constant 0 : i32
    %c0_i32_1 = arith.constant 0 : i32
    return %arg0, %c0_i32, %c0_i32_0 : i32, i32, i32
  }
}

module attributes {stable_mosaic.version = 14 : i64} {
  func.func @_bigru_body(%arg0: i32, %arg1: memref<1x1024x64xf32, #tpu.memory_space<vmem>>, %arg2: memref<1x1024x64xf32, #tpu.memory_space<vmem>>, %arg3: memref<1x1024x64xf32, #tpu.memory_space<vmem>>, %arg4: memref<1x1024x64xf32, #tpu.memory_space<vmem>>, %arg5: memref<128x192xf32, #tpu.memory_space<vmem>>, %arg6: memref<64x192xf32, #tpu.memory_space<vmem>>, %arg7: memref<1x192xf32, #tpu.memory_space<vmem>>, %arg8: memref<1x192xf32, #tpu.memory_space<vmem>>, %arg9: memref<128x192xf32, #tpu.memory_space<vmem>>, %arg10: memref<64x192xf32, #tpu.memory_space<vmem>>, %arg11: memref<1x192xf32, #tpu.memory_space<vmem>>, %arg12: memref<1x192xf32, #tpu.memory_space<vmem>>, %arg13: memref<1024x64xf32, #tpu.memory_space<vmem>>, %arg14: memref<1024x64xf32, #tpu.memory_space<vmem>>, %arg15: memref<1024x64xf32, #tpu.memory_space<vmem>>, %arg16: memref<1024x64xf32, #tpu.memory_space<vmem>>, %arg17: memref<1024x64xf32, #tpu.memory_space<vmem>>, %arg18: memref<1024x64xf32, #tpu.memory_space<vmem>>, %arg19: memref<1024x64xf32, #tpu.memory_space<vmem>>, %arg20: memref<1024x64xf32, #tpu.memory_space<vmem>>) attributes {dimension_semantics = [#tpu.dimension_semantics<arbitrary>], iteration_bounds = array<i64: 200>, scalar_prefetch = 0 : i64, scratch_operands = 2 : i64, tpu.core_type = #tpu.core_type<tc>, window_params = [{transform_indices = @transform_0, window_bounds = array<i64: 1, 1024, 64>}, {transform_indices = @transform_1, window_bounds = array<i64: 1, 1024, 64>}, {transform_indices = @transform_2, window_bounds = array<i64: 1, 1024, 64>}, {transform_indices = @transform_3, window_bounds = array<i64: 1, 1024, 64>}, {pipeline_mode = #tpu.pipeline_mode<synchronous>, transform_indices = @transform_4, window_bounds = array<i64: 128, 192>}, {pipeline_mode = #tpu.pipeline_mode<synchronous>, transform_indices = @transform_5, window_bounds = array<i64: 64, 192>}, {pipeline_mode = #tpu.pipeline_mode<synchronous>, transform_indices = @transform_6, window_bounds = array<i64: 1, 192>}, {pipeline_mode = #tpu.pipeline_mode<synchronous>, transform_indices = @transform_7, window_bounds = array<i64: 1, 192>}, {pipeline_mode = #tpu.pipeline_mode<synchronous>, transform_indices = @transform_8, window_bounds = array<i64: 128, 192>}, {pipeline_mode = #tpu.pipeline_mode<synchronous>, transform_indices = @transform_9, window_bounds = array<i64: 64, 192>}, {pipeline_mode = #tpu.pipeline_mode<synchronous>, transform_indices = @transform_10, window_bounds = array<i64: 1, 192>}, {pipeline_mode = #tpu.pipeline_mode<synchronous>, transform_indices = @transform_11, window_bounds = array<i64: 1, 192>}, {pipeline_mode = #tpu.pipeline_mode<synchronous>, transform_indices = @transform_12, window_bounds = array<i64: 1024, 64>}, {pipeline_mode = #tpu.pipeline_mode<synchronous>, transform_indices = @transform_13, window_bounds = array<i64: 1024, 64>}, {pipeline_mode = #tpu.pipeline_mode<synchronous>, transform_indices = @transform_14, window_bounds = array<i64: 1024, 64>}, {pipeline_mode = #tpu.pipeline_mode<synchronous>, transform_indices = @transform_15, window_bounds = array<i64: 1024, 64>}, {pipeline_mode = #tpu.pipeline_mode<synchronous>, transform_indices = @transform_16, window_bounds = array<i64: 1024, 64>}, {pipeline_mode = #tpu.pipeline_mode<synchronous>, transform_indices = @transform_17, window_bounds = array<i64: 1024, 64>}]} {
    %eq3A = arith.constant 0 : i32
    %eq3A_0 = arith.cmpi eq, %arg0, %eq3A : i32
    %get3A = arith.constant 0 : index
    %get3A_1 = arith.constant 0 : index
    %get3A_2 = arith.constant 0 : index
    %get3A_3 = vector.load %arg1[%get3A, %get3A_1, %get3A_2] : memref<1x1024x64xf32, #tpu.memory_space<vmem>>, vector<1x1024x64xf32>
    %get3A_4 = vector.shape_cast %get3A_3 : vector<1x1024x64xf32> to vector<1024x64xf32>
    %get3A_5 = arith.constant 0 : index
    %get3A_6 = arith.constant 0 : index
    %get3A_7 = arith.constant 0 : index
    %get3A_8 = vector.load %arg2[%get3A_5, %get3A_6, %get3A_7] : memref<1x1024x64xf32, #tpu.memory_space<vmem>>, vector<1x1024x64xf32>
    %get3A_9 = vector.shape_cast %get3A_8 : vector<1x1024x64xf32> to vector<1024x64xf32>
    %concatenate3A = tpu.concatenate %get3A_4, %get3A_9 in 1 : vector<1024x64xf32>, vector<1024x64xf32> -> vector<1024x128xf32>
    %get3A_10 = arith.constant 0 : index
    %get3A_11 = arith.constant 0 : index
    %get3A_12 = vector.load %arg19[%get3A_10, %get3A_11] : memref<1024x64xf32, #tpu.memory_space<vmem>>, vector<1024x64xf32>
    %jit3A = arith.constant 0.000000e+00 : f32
    %broadcast_in_dim3A = vector.broadcast %jit3A : f32 to vector<1024x64xf32>
    %select_n3A = arith.select %eq3A_0, %broadcast_in_dim3A, %get3A_12 : vector<1024x64xf32>
    %get3A_13 = arith.constant 0 : index
    %get3A_14 = arith.constant 0 : index
    %get3A_15 = vector.load %arg5[%get3A_13, %get3A_14] : memref<128x192xf32, #tpu.memory_space<vmem>>, vector<128x192xf32>
    %dot_general3A = arith.constant dense<0.000000e+00> : vector<1024x192xf32>
    %dot_general3A_16 = tpu.matmul %concatenate3A, %get3A_15, %dot_general3A {dimension_numbers = #tpu.dot_dimension_numbers<[1], [0], [0], [1], [0, 0, 1, 1], [], []>, transpose_lhs_hint = false} : vector<1024x128xf32>, vector<128x192xf32>, vector<1024x192xf32> -> vector<1024x192xf32>
    %get3A_17 = arith.constant 0 : index
    %get3A_18 = arith.constant 0 : index
    %get3A_19 = vector.load %arg7[%get3A_17, %get3A_18] : memref<1x192xf32, #tpu.memory_space<vmem>>, vector<1x192xf32>
    %add3A = vector.broadcast %get3A_19 : vector<1x192xf32> to vector<1024x192xf32>
    %add3A_20 = arith.addf %dot_general3A_16, %add3A : vector<1024x192xf32>
    %get3A_21 = arith.constant 0 : index
    %get3A_22 = arith.constant 0 : index
    %get3A_23 = vector.load %arg6[%get3A_21, %get3A_22] : memref<64x192xf32, #tpu.memory_space<vmem>>, vector<64x192xf32>
    %dot_general3A_24 = arith.constant dense<0.000000e+00> : vector<1024x192xf32>
    %dot_general3A_25 = tpu.matmul %select_n3A, %get3A_23, %dot_general3A_24 {dimension_numbers = #tpu.dot_dimension_numbers<[1], [0], [0], [1], [0, 0, 1, 1], [], []>, transpose_lhs_hint = false} : vector<1024x64xf32>, vector<64x192xf32>, vector<1024x192xf32> -> vector<1024x192xf32>
    %get3A_26 = arith.constant 0 : index
    %get3A_27 = arith.constant 0 : index
    %get3A_28 = vector.load %arg8[%get3A_26, %get3A_27] : memref<1x192xf32, #tpu.memory_space<vmem>>, vector<1x192xf32>
    %add3A_29 = vector.broadcast %get3A_28 : vector<1x192xf32> to vector<1024x192xf32>
    %add3A_30 = arith.addf %dot_general3A_25, %add3A_29 : vector<1024x192xf32>
    %slice3A = vector.extract_strided_slice %add3A_20 {offsets = [0, 0], sizes = [1024, 64], strides = [1, 1]} : vector<1024x192xf32> to vector<1024x64xf32>
    %slice3A_31 = vector.extract_strided_slice %add3A_30 {offsets = [0, 0], sizes = [1024, 64], strides = [1, 1]} : vector<1024x192xf32> to vector<1024x64xf32>
    %add3A_32 = arith.addf %slice3A, %slice3A_31 : vector<1024x64xf32>
    %logistic3A = arith.negf %add3A_32 : vector<1024x64xf32>
    %logistic3A_33 = math.exp %logistic3A : vector<1024x64xf32>
    %logistic3A_34 = arith.constant 1.000000e+00 : f32
    %logistic3A_35 = vector.broadcast %logistic3A_34 : f32 to vector<1024x64xf32>
    %logistic3A_36 = arith.addf %logistic3A_35, %logistic3A_33 : vector<1024x64xf32>
    %logistic3A_37 = arith.divf %logistic3A_35, %logistic3A_36 : vector<1024x64xf32>
    %slice3A_38 = vector.extract_strided_slice %add3A_20 {offsets = [0, 64], sizes = [1024, 64], strides = [1, 1]} : vector<1024x192xf32> to vector<1024x64xf32>
    %slice3A_39 = vector.extract_strided_slice %add3A_30 {offsets = [0, 64], sizes = [1024, 64], strides = [1, 1]} : vector<1024x192xf32> to vector<1024x64xf32>
    %add3A_40 = arith.addf %slice3A_38, %slice3A_39 : vector<1024x64xf32>
    %logistic3A_41 = arith.negf %add3A_40 : vector<1024x64xf32>
    %logistic3A_42 = math.exp %logistic3A_41 : vector<1024x64xf32>
    %logistic3A_43 = arith.constant 1.000000e+00 : f32
    %logistic3A_44 = vector.broadcast %logistic3A_43 : f32 to vector<1024x64xf32>
    %logistic3A_45 = arith.addf %logistic3A_44, %logistic3A_42 : vector<1024x64xf32>
    %logistic3A_46 = arith.divf %logistic3A_44, %logistic3A_45 : vector<1024x64xf32>
    %slice3A_47 = vector.extract_strided_slice %add3A_20 {offsets = [0, 128], sizes = [1024, 64], strides = [1, 1]} : vector<1024x192xf32> to vector<1024x64xf32>
    %slice3A_48 = vector.extract_strided_slice %add3A_30 {offsets = [0, 128], sizes = [1024, 64], strides = [1, 1]} : vector<1024x192xf32> to vector<1024x64xf32>
    %mul3A = arith.mulf %logistic3A_37, %slice3A_48 : vector<1024x64xf32>
    %add3A_49 = arith.addf %slice3A_47, %mul3A : vector<1024x64xf32>
    %tanh3A = math.tanh %add3A_49 : vector<1024x64xf32>
    %sub3A = arith.constant 1.000000e+00 : f32
    %sub3A_50 = vector.broadcast %sub3A : f32 to vector<1024x64xf32>
    %sub3A_51 = arith.subf %sub3A_50, %logistic3A_46 : vector<1024x64xf32>
    %mul3A_52 = arith.mulf %sub3A_51, %tanh3A : vector<1024x64xf32>
    %mul3A_53 = arith.mulf %logistic3A_46, %select_n3A : vector<1024x64xf32>
    %add3A_54 = arith.addf %mul3A_52, %mul3A_53 : vector<1024x64xf32>
    %swap3A = arith.constant 0 : index
    %swap3A_55 = arith.constant 0 : index
    %swap3A_56 = vector.load %arg19[%swap3A, %swap3A_55] : memref<1024x64xf32, #tpu.memory_space<vmem>>, vector<1024x64xf32>
    tpu.vector_store %arg19[%swap3A, %swap3A_55], %add3A_54 {strides = array<i32>} : memref<1024x64xf32, #tpu.memory_space<vmem>>, vector<1024x64xf32>,
    %get3A_57 = arith.constant 0 : index
    %get3A_58 = arith.constant 0 : index
    %get3A_59 = vector.load %arg15[%get3A_57, %get3A_58] : memref<1024x64xf32, #tpu.memory_space<vmem>>, vector<1024x64xf32>
    %jit3A_60 = arith.constant 0.000000e+00 : f32
    %broadcast_in_dim3A_61 = vector.broadcast %jit3A_60 : f32 to vector<1024x64xf32>
    %select_n3A_62 = arith.select %eq3A_0, %broadcast_in_dim3A_61, %get3A_59 : vector<1024x64xf32>
    %add3A_63 = arith.addf %select_n3A_62, %add3A_54 : vector<1024x64xf32>
    %swap3A_64 = arith.constant 0 : index
    %swap3A_65 = arith.constant 0 : index
    %swap3A_66 = vector.load %arg15[%swap3A_64, %swap3A_65] : memref<1024x64xf32, #tpu.memory_space<vmem>>, vector<1024x64xf32>
    tpu.vector_store %arg15[%swap3A_64, %swap3A_65], %add3A_63 {strides = array<i32>} : memref<1024x64xf32, #tpu.memory_space<vmem>>, vector<1024x64xf32>,
    %get3A_67 = arith.constant 0 : index
    %get3A_68 = arith.constant 0 : index
    %get3A_69 = vector.load %arg17[%get3A_67, %get3A_68] : memref<1024x64xf32, #tpu.memory_space<vmem>>, vector<1024x64xf32>
    %jit3A_70 = arith.constant 0xFF800000 : f32
    %broadcast_in_dim3A_71 = vector.broadcast %jit3A_70 : f32 to vector<1024x64xf32>
    %select_n3A_72 = arith.select %eq3A_0, %broadcast_in_dim3A_71, %get3A_69 : vector<1024x64xf32>
    %max3A = arith.maximumf %select_n3A_72, %add3A_54 : vector<1024x64xf32>
    %swap3A_73 = arith.constant 0 : index
    %swap3A_74 = arith.constant 0 : index
    %swap3A_75 = vector.load %arg17[%swap3A_73, %swap3A_74] : memref<1024x64xf32, #tpu.memory_space<vmem>>, vector<1024x64xf32>
    tpu.vector_store %arg17[%swap3A_73, %swap3A_74], %max3A {strides = array<i32>} : memref<1024x64xf32, #tpu.memory_space<vmem>>, vector<1024x64xf32>,
    %get3A_76 = arith.constant 0 : index
    %get3A_77 = arith.constant 0 : index
    %get3A_78 = arith.constant 0 : index
    %get3A_79 = vector.load %arg3[%get3A_76, %get3A_77, %get3A_78] : memref<1x1024x64xf32, #tpu.memory_space<vmem>>, vector<1x1024x64xf32>
    %get3A_80 = vector.shape_cast %get3A_79 : vector<1x1024x64xf32> to vector<1024x64xf32>
    %get3A_81 = arith.constant 0 : index
    %get3A_82 = arith.constant 0 : index
    %get3A_83 = arith.constant 0 : index
    %get3A_84 = vector.load %arg4[%get3A_81, %get3A_82, %get3A_83] : memref<1x1024x64xf32, #tpu.memory_space<vmem>>, vector<1x1024x64xf32>
    %get3A_85 = vector.shape_cast %get3A_84 : vector<1x1024x64xf32> to vector<1024x64xf32>
    %concatenate3A_86 = tpu.concatenate %get3A_80, %get3A_85 in 1 : vector<1024x64xf32>, vector<1024x64xf32> -> vector<1024x128xf32>
    %get3A_87 = arith.constant 0 : index
    %get3A_88 = arith.constant 0 : index
    %get3A_89 = vector.load %arg20[%get3A_87, %get3A_88] : memref<1024x64xf32, #tpu.memory_space<vmem>>, vector<1024x64xf32>
    %jit3A_90 = arith.constant 0.000000e+00 : f32
    %broadcast_in_dim3A_91 = vector.broadcast %jit3A_90 : f32 to vector<1024x64xf32>
    %select_n3A_92 = arith.select %eq3A_0, %broadcast_in_dim3A_91, %get3A_89 : vector<1024x64xf32>
    %get3A_93 = arith.constant 0 : index
    %get3A_94 = arith.constant 0 : index
    %get3A_95 = vector.load %arg9[%get3A_93, %get3A_94] : memref<128x192xf32, #tpu.memory_space<vmem>>, vector<128x192xf32>
    %dot_general3A_96 = arith.constant dense<0.000000e+00> : vector<1024x192xf32>
    %dot_general3A_97 = tpu.matmul %concatenate3A_86, %get3A_95, %dot_general3A_96 {dimension_numbers = #tpu.dot_dimension_numbers<[1], [0], [0], [1], [0, 0, 1, 1], [], []>, transpose_lhs_hint = false} : vector<1024x128xf32>, vector<128x192xf32>, vector<1024x192xf32> -> vector<1024x192xf32>
    %get3A_98 = arith.constant 0 : index
    %get3A_99 = arith.constant 0 : index
    %get3A_100 = vector.load %arg11[%get3A_98, %get3A_99] : memref<1x192xf32, #tpu.memory_space<vmem>>, vector<1x192xf32>
    %add3A_101 = vector.broadcast %get3A_100 : vector<1x192xf32> to vector<1024x192xf32>
    %add3A_102 = arith.addf %dot_general3A_97, %add3A_101 : vector<1024x192xf32>
    %get3A_103 = arith.constant 0 : index
    %get3A_104 = arith.constant 0 : index
    %get3A_105 = vector.load %arg10[%get3A_103, %get3A_104] : memref<64x192xf32, #tpu.memory_space<vmem>>, vector<64x192xf32>
    %dot_general3A_106 = arith.constant dense<0.000000e+00> : vector<1024x192xf32>
    %dot_general3A_107 = tpu.matmul %select_n3A_92, %get3A_105, %dot_general3A_106 {dimension_numbers = #tpu.dot_dimension_numbers<[1], [0], [0], [1], [0, 0, 1, 1], [], []>, transpose_lhs_hint = false} : vector<1024x64xf32>, vector<64x192xf32>, vector<1024x192xf32> -> vector<1024x192xf32>
    %get3A_108 = arith.constant 0 : index
    %get3A_109 = arith.constant 0 : index
    %get3A_110 = vector.load %arg12[%get3A_108, %get3A_109] : memref<1x192xf32, #tpu.memory_space<vmem>>, vector<1x192xf32>
    %add3A_111 = vector.broadcast %get3A_110 : vector<1x192xf32> to vector<1024x192xf32>
    %add3A_112 = arith.addf %dot_general3A_107, %add3A_111 : vector<1024x192xf32>
    %slice3A_113 = vector.extract_strided_slice %add3A_102 {offsets = [0, 0], sizes = [1024, 64], strides = [1, 1]} : vector<1024x192xf32> to vector<1024x64xf32>
    %slice3A_114 = vector.extract_strided_slice %add3A_112 {offsets = [0, 0], sizes = [1024, 64], strides = [1, 1]} : vector<1024x192xf32> to vector<1024x64xf32>
    %add3A_115 = arith.addf %slice3A_113, %slice3A_114 : vector<1024x64xf32>
    %logistic3A_116 = arith.negf %add3A_115 : vector<1024x64xf32>
    %logistic3A_117 = math.exp %logistic3A_116 : vector<1024x64xf32>
    %logistic3A_118 = arith.constant 1.000000e+00 : f32
    %logistic3A_119 = vector.broadcast %logistic3A_118 : f32 to vector<1024x64xf32>
    %logistic3A_120 = arith.addf %logistic3A_119, %logistic3A_117 : vector<1024x64xf32>
    %logistic3A_121 = arith.divf %logistic3A_119, %logistic3A_120 : vector<1024x64xf32>
    %slice3A_122 = vector.extract_strided_slice %add3A_102 {offsets = [0, 64], sizes = [1024, 64], strides = [1, 1]} : vector<1024x192xf32> to vector<1024x64xf32>
    %slice3A_123 = vector.extract_strided_slice %add3A_112 {offsets = [0, 64], sizes = [1024, 64], strides = [1, 1]} : vector<1024x192xf32> to vector<1024x64xf32>
    %add3A_124 = arith.addf %slice3A_122, %slice3A_123 : vector<1024x64xf32>
    %logistic3A_125 = arith.negf %add3A_124 : vector<1024x64xf32>
    %logistic3A_126 = math.exp %logistic3A_125 : vector<1024x64xf32>
    %logistic3A_127 = arith.constant 1.000000e+00 : f32
    %logistic3A_128 = vector.broadcast %logistic3A_127 : f32 to vector<1024x64xf32>
    %logistic3A_129 = arith.addf %logistic3A_128, %logistic3A_126 : vector<1024x64xf32>
    %logistic3A_130 = arith.divf %logistic3A_128, %logistic3A_129 : vector<1024x64xf32>
    %slice3A_131 = vector.extract_strided_slice %add3A_102 {offsets = [0, 128], sizes = [1024, 64], strides = [1, 1]} : vector<1024x192xf32> to vector<1024x64xf32>
    %slice3A_132 = vector.extract_strided_slice %add3A_112 {offsets = [0, 128], sizes = [1024, 64], strides = [1, 1]} : vector<1024x192xf32> to vector<1024x64xf32>
    %mul3A_133 = arith.mulf %logistic3A_121, %slice3A_132 : vector<1024x64xf32>
    %add3A_134 = arith.addf %slice3A_131, %mul3A_133 : vector<1024x64xf32>
    %tanh3A_135 = math.tanh %add3A_134 : vector<1024x64xf32>
    %sub3A_136 = arith.constant 1.000000e+00 : f32
    %sub3A_137 = vector.broadcast %sub3A_136 : f32 to vector<1024x64xf32>
    %sub3A_138 = arith.subf %sub3A_137, %logistic3A_130 : vector<1024x64xf32>
    %mul3A_139 = arith.mulf %sub3A_138, %tanh3A_135 : vector<1024x64xf32>
    %mul3A_140 = arith.mulf %logistic3A_130, %select_n3A_92 : vector<1024x64xf32>
    %add3A_141 = arith.addf %mul3A_139, %mul3A_140 : vector<1024x64xf32>
    %swap3A_142 = arith.constant 0 : index
    %swap3A_143 = arith.constant 0 : index
    %swap3A_144 = vector.load %arg20[%swap3A_142, %swap3A_143] : memref<1024x64xf32, #tpu.memory_space<vmem>>, vector<1024x64xf32>
    tpu.vector_store %arg20[%swap3A_142, %swap3A_143], %add3A_141 {strides = array<i32>} : memref<1024x64xf32, #tpu.memory_space<vmem>>, vector<1024x64xf32>,
    %get3A_145 = arith.constant 0 : index
    %get3A_146 = arith.constant 0 : index
    %get3A_147 = vector.load %arg16[%get3A_145, %get3A_146] : memref<1024x64xf32, #tpu.memory_space<vmem>>, vector<1024x64xf32>
    %jit3A_148 = arith.constant 0.000000e+00 : f32
    %broadcast_in_dim3A_149 = vector.broadcast %jit3A_148 : f32 to vector<1024x64xf32>
    %select_n3A_150 = arith.select %eq3A_0, %broadcast_in_dim3A_149, %get3A_147 : vector<1024x64xf32>
    %add3A_151 = arith.addf %select_n3A_150, %add3A_141 : vector<1024x64xf32>
    %swap3A_152 = arith.constant 0 : index
    %swap3A_153 = arith.constant 0 : index
    %swap3A_154 = vector.load %arg16[%swap3A_152, %swap3A_153] : memref<1024x64xf32, #tpu.memory_space<vmem>>, vector<1024x64xf32>
    tpu.vector_store %arg16[%swap3A_152, %swap3A_153], %add3A_151 {strides = array<i32>} : memref<1024x64xf32, #tpu.memory_space<vmem>>, vector<1024x64xf32>,
    %get3A_155 = arith.constant 0 : index
    %get3A_156 = arith.constant 0 : index
    %get3A_157 = vector.load %arg18[%get3A_155, %get3A_156] : memref<1024x64xf32, #tpu.memory_space<vmem>>, vector<1024x64xf32>
    %jit3A_158 = arith.constant 0xFF800000 : f32
    %broadcast_in_dim3A_159 = vector.broadcast %jit3A_158 : f32 to vector<1024x64xf32>
    %select_n3A_160 = arith.select %eq3A_0, %broadcast_in_dim3A_159, %get3A_157 : vector<1024x64xf32>
    %max3A_161 = arith.maximumf %select_n3A_160, %add3A_141 : vector<1024x64xf32>
    %swap3A_162 = arith.constant 0 : index
    %swap3A_163 = arith.constant 0 : index
    %swap3A_164 = vector.load %arg18[%swap3A_162, %swap3A_163] : memref<1024x64xf32, #tpu.memory_space<vmem>>, vector<1024x64xf32>
    tpu.vector_store %arg18[%swap3A_162, %swap3A_163], %max3A_161 {strides = array<i32>} : memref<1024x64xf32, #tpu.memory_space<vmem>>, vector<1024x64xf32>,
    %eq3A_165 = arith.constant 199 : i32
    %eq3A_166 = arith.cmpi eq, %arg0, %eq3A_165 : i32
    %convert_element_type3A = arith.extui %eq3A_166 : i1 to i32
    %cond3A = arith.constant 0 : i32
    %cond3A_167 = arith.cmpi ne, %convert_element_type3A, %cond3A : i32
    scf.if %cond3A_167 {
      %get3A_168 = arith.constant 0 : index
      %get3A_169 = arith.constant 0 : index
      %get3A_170 = vector.load %arg19[%get3A_168, %get3A_169] : memref<1024x64xf32, #tpu.memory_space<vmem>>, vector<1024x64xf32>
      %swap3A_171 = arith.constant 0 : index
      %swap3A_172 = arith.constant 0 : index
      %swap3A_173 = vector.load %arg13[%swap3A_171, %swap3A_172] : memref<1024x64xf32, #tpu.memory_space<vmem>>, vector<1024x64xf32>
      tpu.vector_store %arg13[%swap3A_171, %swap3A_172], %get3A_170 {strides = array<i32>} : memref<1024x64xf32, #tpu.memory_space<vmem>>, vector<1024x64xf32>,
      %get3A_174 = arith.constant 0 : index
      %get3A_175 = arith.constant 0 : index
      %get3A_176 = vector.load %arg20[%get3A_174, %get3A_175] : memref<1024x64xf32, #tpu.memory_space<vmem>>, vector<1024x64xf32>
      %swap3A_177 = arith.constant 0 : index
      %swap3A_178 = arith.constant 0 : index
      %swap3A_179 = vector.load %arg14[%swap3A_177, %swap3A_178] : memref<1024x64xf32, #tpu.memory_space<vmem>>, vector<1024x64xf32>
      tpu.vector_store %arg14[%swap3A_177, %swap3A_178], %get3A_176 {strides = array<i32>} : memref<1024x64xf32, #tpu.memory_space<vmem>>, vector<1024x64xf32>,
      %get3A_180 = arith.constant 0 : index
      %get3A_181 = arith.constant 0 : index
      %get3A_182 = vector.load %arg15[%get3A_180, %get3A_181] : memref<1024x64xf32, #tpu.memory_space<vmem>>, vector<1024x64xf32>
      %mul3A_183 = arith.constant 5.000000e-03 : f32
      %mul3A_184 = vector.broadcast %mul3A_183 : f32 to vector<1024x64xf32>
      %mul3A_185 = arith.mulf %get3A_182, %mul3A_184 : vector<1024x64xf32>
      %swap3A_186 = arith.constant 0 : index
      %swap3A_187 = arith.constant 0 : index
      %swap3A_188 = vector.load %arg15[%swap3A_186, %swap3A_187] : memref<1024x64xf32, #tpu.memory_space<vmem>>, vector<1024x64xf32>
      tpu.vector_store %arg15[%swap3A_186, %swap3A_187], %mul3A_185 {strides = array<i32>} : memref<1024x64xf32, #tpu.memory_space<vmem>>, vector<1024x64xf32>,
      %get3A_189 = arith.constant 0 : index
      %get3A_190 = arith.constant 0 : index
      %get3A_191 = vector.load %arg16[%get3A_189, %get3A_190] : memref<1024x64xf32, #tpu.memory_space<vmem>>, vector<1024x64xf32>
      %mul3A_192 = arith.constant 5.000000e-03 : f32
      %mul3A_193 = vector.broadcast %mul3A_192 : f32 to vector<1024x64xf32>
      %mul3A_194 = arith.mulf %get3A_191, %mul3A_193 : vector<1024x64xf32>
      %swap3A_195 = arith.constant 0 : index
      %swap3A_196 = arith.constant 0 : index
      %swap3A_197 = vector.load %arg16[%swap3A_195, %swap3A_196] : memref<1024x64xf32, #tpu.memory_space<vmem>>, vector<1024x64xf32>
      tpu.vector_store %arg16[%swap3A_195, %swap3A_196], %mul3A_194 {strides = array<i32>} : memref<1024x64xf32, #tpu.memory_space<vmem>>, vector<1024x64xf32>,
    } else {
    }
    return
  }
  func.func @transform_0(%arg0: i32) -> (i32, i32, i32) {
    %c0_i32 = arith.constant 0 : i32
    %c0_i32_0 = arith.constant 0 : i32
    %c0_i32_1 = arith.constant 0 : i32
    return %arg0, %c0_i32, %c0_i32_0 : i32, i32, i32
  }
  func.func @transform_1(%arg0: i32) -> (i32, i32, i32) {
    %sub3A = arith.constant 199 : i32
    %sub3A_0 = arith.subi %sub3A, %arg0 : i32
    %c0_i32 = arith.constant 0 : i32
    %c0_i32_1 = arith.constant 0 : i32
    %c0_i32_2 = arith.constant 0 : i32
    return %sub3A_0, %c0_i32, %c0_i32_1 : i32, i32, i32
  }
  func.func @transform_2(%arg0: i32) -> (i32, i32, i32) {
    %sub3A = arith.constant 199 : i32
    %sub3A_0 = arith.subi %sub3A, %arg0 : i32
    %c0_i32 = arith.constant 0 : i32
    %c0_i32_1 = arith.constant 0 : i32
    %c0_i32_2 = arith.constant 0 : i32
    return %sub3A_0, %c0_i32, %c0_i32_1 : i32, i32, i32
  }
  func.func @transform_3(%arg0: i32) -> (i32, i32, i32) {
    %c0_i32 = arith.constant 0 : i32
    %c0_i32_0 = arith.constant 0 : i32
    %c0_i32_1 = arith.constant 0 : i32
    return %arg0, %c0_i32, %c0_i32_0 : i32, i32, i32
  }
  func.func @transform_4(%arg0: i32) -> (i32, i32) {
    %c0_i32 = arith.constant 0 : i32
    %c0_i32_0 = arith.constant 0 : i32
    %c0_i32_1 = arith.constant 0 : i32
    return %c0_i32, %c0_i32_0 : i32, i32
  }
  func.func @transform_5(%arg0: i32) -> (i32, i32) {
    %c0_i32 = arith.constant 0 : i32
    %c0_i32_0 = arith.constant 0 : i32
    %c0_i32_1 = arith.constant 0 : i32
    return %c0_i32, %c0_i32_0 : i32, i32
  }
  func.func @transform_6(%arg0: i32) -> (i32, i32) {
    %c0_i32 = arith.constant 0 : i32
    %c0_i32_0 = arith.constant 0 : i32
    %c0_i32_1 = arith.constant 0 : i32
    return %c0_i32, %c0_i32_0 : i32, i32
  }
  func.func @transform_7(%arg0: i32) -> (i32, i32) {
    %c0_i32 = arith.constant 0 : i32
    %c0_i32_0 = arith.constant 0 : i32
    %c0_i32_1 = arith.constant 0 : i32
    return %c0_i32, %c0_i32_0 : i32, i32
  }
  func.func @transform_8(%arg0: i32) -> (i32, i32) {
    %c0_i32 = arith.constant 0 : i32
    %c0_i32_0 = arith.constant 0 : i32
    %c0_i32_1 = arith.constant 0 : i32
    return %c0_i32, %c0_i32_0 : i32, i32
  }
  func.func @transform_9(%arg0: i32) -> (i32, i32) {
    %c0_i32 = arith.constant 0 : i32
    %c0_i32_0 = arith.constant 0 : i32
    %c0_i32_1 = arith.constant 0 : i32
    return %c0_i32, %c0_i32_0 : i32, i32
  }
  func.func @transform_10(%arg0: i32) -> (i32, i32) {
    %c0_i32 = arith.constant 0 : i32
    %c0_i32_0 = arith.constant 0 : i32
    %c0_i32_1 = arith.constant 0 : i32
    return %c0_i32, %c0_i32_0 : i32, i32
  }
  func.func @transform_11(%arg0: i32) -> (i32, i32) {
    %c0_i32 = arith.constant 0 : i32
    %c0_i32_0 = arith.constant 0 : i32
    %c0_i32_1 = arith.constant 0 : i32
    return %c0_i32, %c0_i32_0 : i32, i32
  }
  func.func @transform_12(%arg0: i32) -> (i32, i32) {
    %c0_i32 = arith.constant 0 : i32
    %c0_i32_0 = arith.constant 0 : i32
    %c0_i32_1 = arith.constant 0 : i32
    return %c0_i32, %c0_i32_0 : i32, i32
  }
  func.func @transform_13(%arg0: i32) -> (i32, i32) {
    %c0_i32 = arith.constant 0 : i32
    %c0_i32_0 = arith.constant 0 : i32
    %c0_i32_1 = arith.constant 0 : i32
    return %c0_i32, %c0_i32_0 : i32, i32
  }
  func.func @transform_14(%arg0: i32) -> (i32, i32) {
    %c0_i32 = arith.constant 0 : i32
    %c0_i32_0 = arith.constant 0 : i32
    %c0_i32_1 = arith.constant 0 : i32
    return %c0_i32, %c0_i32_0 : i32, i32
  }
  func.func @transform_15(%arg0: i32) -> (i32, i32) {
    %c0_i32 = arith.constant 0 : i32
    %c0_i32_0 = arith.constant 0 : i32
    %c0_i32_1 = arith.constant 0 : i32
    return %c0_i32, %c0_i32_0 : i32, i32
  }
  func.func @transform_16(%arg0: i32) -> (i32, i32) {
    %c0_i32 = arith.constant 0 : i32
    %c0_i32_0 = arith.constant 0 : i32
    %c0_i32_1 = arith.constant 0 : i32
    return %c0_i32, %c0_i32_0 : i32, i32
  }
  func.func @transform_17(%arg0: i32) -> (i32, i32) {
    %c0_i32 = arith.constant 0 : i32
    %c0_i32_0 = arith.constant 0 : i32
    %c0_i32_1 = arith.constant 0 : i32
    return %c0_i32, %c0_i32_0 : i32, i32
  }
}

module attributes {stable_mosaic.version = 14 : i64} {
  func.func @_head_body(%arg0: memref<1024x388xf32, #tpu.memory_space<vmem>>, %arg1: memref<388x128xf32, #tpu.memory_space<vmem>>, %arg2: memref<1x128xf32, #tpu.memory_space<vmem>>, %arg3: memref<128x1xf32, #tpu.memory_space<vmem>>, %arg4: memref<1x1xf32, #tpu.memory_space<vmem>>, %arg5: memref<1024x1xf32, #tpu.memory_space<vmem>>) attributes {dimension_semantics = [], scalar_prefetch = 0 : i64, scratch_operands = 0 : i64, tpu.core_type = #tpu.core_type<tc>} {
    %get3A = arith.constant 0 : index
    %get3A_0 = arith.constant 0 : index
    %get3A_1 = vector.load %arg0[%get3A, %get3A_0] : memref<1024x388xf32, #tpu.memory_space<vmem>>, vector<1024x388xf32>
    %get3A_2 = arith.constant 0 : index
    %get3A_3 = arith.constant 0 : index
    %get3A_4 = vector.load %arg1[%get3A_2, %get3A_3] : memref<388x128xf32, #tpu.memory_space<vmem>>, vector<388x128xf32>
    %dot_general3A = arith.constant dense<0.000000e+00> : vector<1024x128xf32>
    %dot_general3A_5 = tpu.matmul %get3A_1, %get3A_4, %dot_general3A {dimension_numbers = #tpu.dot_dimension_numbers<[1], [0], [0], [1], [0, 0, 1, 1], [], []>, transpose_lhs_hint = false} : vector<1024x388xf32>, vector<388x128xf32>, vector<1024x128xf32> -> vector<1024x128xf32>
    %get3A_6 = arith.constant 0 : index
    %get3A_7 = arith.constant 0 : index
    %get3A_8 = vector.load %arg2[%get3A_6, %get3A_7] : memref<1x128xf32, #tpu.memory_space<vmem>>, vector<1x128xf32>
    %add3A = vector.broadcast %get3A_8 : vector<1x128xf32> to vector<1024x128xf32>
    %add3A_9 = arith.addf %dot_general3A_5, %add3A : vector<1024x128xf32>
    %max3A = arith.constant 0.000000e+00 : f32
    %max3A_10 = vector.broadcast %max3A : f32 to vector<1024x128xf32>
    %max3A_11 = arith.maximumf %add3A_9, %max3A_10 : vector<1024x128xf32>
    %get3A_12 = arith.constant 0 : index
    %get3A_13 = arith.constant 0 : index
    %get3A_14 = vector.load %arg3[%get3A_12, %get3A_13] : memref<128x1xf32, #tpu.memory_space<vmem>>, vector<128x1xf32>
    %dot_general3A_15 = arith.constant dense<0.000000e+00> : vector<1024x1xf32>
    %dot_general3A_16 = tpu.matmul %max3A_11, %get3A_14, %dot_general3A_15 {dimension_numbers = #tpu.dot_dimension_numbers<[1], [0], [0], [1], [0, 0, 1, 1], [], []>, transpose_lhs_hint = false} : vector<1024x128xf32>, vector<128x1xf32>, vector<1024x1xf32> -> vector<1024x1xf32>
    %get3A_17 = arith.constant 0 : index
    %get3A_18 = arith.constant 0 : index
    %get3A_19 = vector.load %arg4[%get3A_17, %get3A_18] : memref<1x1xf32, #tpu.memory_space<vmem>>, vector<1x1xf32>
    %add3A_20 = vector.broadcast %get3A_19 : vector<1x1xf32> to vector<1024x1xf32>
    %add3A_21 = arith.addf %dot_general3A_16, %add3A_20 : vector<1024x1xf32>
    %swap3A = arith.constant 0 : index
    %swap3A_22 = arith.constant 0 : index
    %swap3A_23 = vector.load %arg5[%swap3A, %swap3A_22] : memref<1024x1xf32, #tpu.memory_space<vmem>>, vector<1024x1xf32>
    tpu.vector_store %arg5[%swap3A, %swap3A_22], %add3A_21 {strides = array<i32>} : memref<1024x1xf32, #tpu.memory_space<vmem>>, vector<1024x1xf32>,
    return
  }
}

</mosaic_0001>

<sc_bundles>
// kernel: kernel.7.cloned.1.call-start
scs
__scs_entry_jumppad:
0x0: {  	(pc) =	sbr.rel $0x88, $3  }
0x1: {  	(tag) =	ssettag $0x0;
	lr =	simm.s32 $0x1  }
0x2: {  	[smem:$0x3F8A] =	sst lr;
	_ =	strace $0xD0000000  }
0x3: {  	_ = 	snop  }
0x4: {  	_ = 	snop  }
0x5: {  	_ = 	snop  }
0x6: {  	_ = 	snop  }
0x7: {  	_ = 	snop  }
__scs_overlays_trampoline_lowered:
0x8: {  	[smem:$0x3F99] =	sst s0  }
0x9: {  	[smem:$0x3F9A] =	sst s1  }
0xa: {  	[smem:$0x3F9B] =	sst s2  }
0xb: {  	[smem:$0x3F9C] =	sst s3  }
0xc: {  	[smem:$0x3F9D] =	sst s4  }
0xd: {  	[smem:$0x3F9E] =	sst s5  }
0xe: {  	[smem:$0x3F9F] =	sst s6  }
0xf: {  	[smem:$0x3FA0] =	sst s7  }
0x10: {  	[smem:$0x3FA1] =	sst s8  }
0x11: {  	[smem:$0x3FA2] =	sst s9;
	s0 =	simm.s32 @!p0 $0x0  }
0x12: {  	s1 =	sld [smem:$0x3F88];
	s0 =	simm.s32 @p0 $0x1  }
0x13: {  	[smem:$0x3FA3] =	sst s0;
	s0 =	simm.s32 @!p1 $0x0  }
0x14: {  	s2 =	sld [smem:$0x3F87];
	s0 =	simm.s32 @p1 $0x1  }
0x15: {  	[smem:$0x3FA4] =	sst s0;
	s0 =	simm.s32 @!p2 $0x0  }
0x16: {  	s3 =	sld [smem:$0x3FDB];
	s0 =	simm.s32 @p2 $0x1  }
0x17: {  	s4 =	simm.s32 $0x1BF5;
	[smem:$0x3FA6] =	sst s0  }
0x18: {  	s0 =	sld [smem:$0x3F89];
	_ =	swait.ge [sflag:s4], $0x0  }
0x19: {  	s7 =	sld [smem:$0x3F8A]  }
0x1a: {  	s8 =	sadd.s32 $0xFFFFE003, lr  }
0x1b: {  	s9 =	sadd.s32 $0xFFFFFEF7, lr;
	s5 =	simm.s32 $0xFFFFFFFF;
	p2 =	slt.u32 s8, $0xFFFFF086  }
0x1c: {  	p1 =	slt.u32 s9, $0xF7A;
	s5 =	simm.s32 @!p2 $0x0  }
0x1d: {  	s5 =	simm.s32 @p1 $0x1;
	p0 =	seq.s32 s7, s2  }
0x1e: {  	s7 =	smul.u32 @!p0 $0xF7A, s2;
	p2 =	seq.s32 @!p0 s5, $0x0  }
0x1f: {  	s9 =	smul.u32 $0xF7A, s1;
	s8 =	simm.s32 @!p0 $0x1BF5;
	p2 =	por !p2, p0  }
0x20: {  	[sflag:s8] =	ssyncset.s32 @!p0 $0xFFFFF086;
	s6 =	sadd.s32 @!p0 s3, s7;
	s7 =	simm.s32 @!p0 $0x108  }
0x21: {  	s3 =	sadd.s32 s3, s9;
	s6 =	sadd.s32 @!p0 $0x88, s6;
	s7 =	simm.s32 @p2 $0x1082  }
0x22: {  	[simem:s7], [sflag:s8] =	dma.local @!p0 [hbm:s6], $0xF7A  }
0x23: {  	s9 =	sor.u32 $0xD0000000, s2;
	s6 =	simm.s32 $0x108;
	_ =	swait.ge @!p0 [sflag:s8], $0x0  }
0x24: {  	s3 =	sadd.s32 $0x88, s3;
	s6 =	simm.s32 @!p1 $0x1082;
	[sflag:s4] =	ssyncset.s32 $0xFFFFF086  }
0x25: {  	[simem:s6], [sflag:s4] =	dma.local [hbm:s3], $0xF7A  }
0x26: {  	[smem:$0x3F8A] =	sst s1;
	(tag) =	ssettag s2;
	_ =	strace s9  }
0x27: {  	s1 =	sld [smem:$0x3F9A]  }
0x28: {  	s2 =	sld [smem:$0x3F9B]  }
0x29: {  	s4 =	sld [smem:$0x3F9D]  }
0x2a: {  	p0 =	seq.s32 s5, $0x0;
	s5 =	sld [smem:$0x3F9E]  }
0x2b: {  	s6 =	sld [smem:$0x3F9F]  }
0x2c: {  	s7 =	sld [smem:$0x3FA0]  }
0x2d: {  	s3 =	simm.s32 $0x108;
	s8 =	sld [smem:$0x3FA1]  }
0x2e: {  	s3 =	simm.s32 @!p0 $0x1082;
	s9 =	sld [smem:$0x3FA2]  }
0x2f: {  	lr =	sadd.s32 s0, s3;
	s0 =	sld [smem:$0x3F99]  }
0x30: {  	s3 =	sld [smem:$0x3F9C]  }
0x31: {  	[smem:$0x3FA5] =	sst s10  }
0x32: {  	s10 =	sld [smem:$0x3FA3];
	_ =	sdelay $0x3  }
0x33: {  	p0 =	seq.s32 s10, $0x1;
	s10 =	sld [smem:$0x3FA5];
	_ =	sdelay $0x3  }
0x34: {  	[smem:$0x3FA5] =	sst s10  }
0x35: {  	s10 =	sld [smem:$0x3FA4];
	_ =	sdelay $0x3  }
0x36: {  	p1 =	seq.s32 s10, $0x1;
	s10 =	sld [smem:$0x3FA5];
	_ =	sdelay $0x3  }
0x37: {  	[smem:$0x3FA5] =	sst s10  }
0x38: {  	s10 =	sld [smem:$0x3FA6]  }
0x39: {  	_ = 	snop;
	(pc) =	sbr.ind lr, $3  }
0x3a: {  	_ = 	snop  }
0x3b: {  	_ = 	snop  }
0x3c: {  	p2 =	seq.s32 s10, $0x1;
	s10 =	sld [smem:$0x3FA5]  }
0x3d: {  	_ =	shalt  }
0x3e: {  	_ =	shalt  }
0x3f: {  	_ =	shalt  }
0x40: {  	_ =	shalt  }
0x41: {  	_ =	shalt  }
0x42: {  	_ =	shalt  }
0x43: {  	_ =	shalt  }
0x44: {  	_ =	shalt  }
0x45: {  	_ =	shalt  }
0x46: {  	_ =	shalt  }
0x47: {  	_ =	shalt  }
0x48: {  	_ =	shalt  }
0x49: {  	_ =	shalt  }
0x4a: {  	_ =	shalt  }
0x4b: {  	_ =	shalt  }
0x4c: {  	_ =	shalt  }
0x4d: {  	_ =	shalt  }
0x4e: {  	_ =	shalt  }
0x4f: {  	_ =	shalt  }
0x50: {  	_ =	shalt  }
0x51: {  	_ =	shalt  }
0x52: {  	_ =	shalt  }
0x53: {  	_ =	shalt  }
0x54: {  	_ =	shalt  }
0x55: {  	_ =	shalt  }
0x56: {  	_ =	shalt  }
0x57: {  	_ =	shalt  }
0x58: {  	_ =	shalt  }
0x59: {  	_ =	shalt  }
0x5a: {  	_ =	shalt  }
0x5b: {  	_ =	shalt  }
0x5c: {  	_ =	shalt  }
0x5d: {  	_ =	shalt  }
0x5e: {  	_ =	shalt  }
0x5f: {  	_ =	shalt  }
0x60: {  	_ =	shalt  }
0x61: {  	_ =	shalt  }
0x62: {  	_ =	shalt  }
0x63: {  	_ =	shalt  }
0x64: {  	_ =	shalt  }
0x65: {  	_ =	shalt  }
0x66: {  	_ =	shalt  }
0x67: {  	_ =	shalt  }
0x68: {  	_ =	shalt  }
0x69: {  	_ =	shalt  }
0x6a: {  	_ =	shalt  }
0x6b: {  	_ =	shalt  }
0x6c: {  	_ =	shalt  }
0x6d: {  	_ =	shalt  }
0x6e: {  	_ =	shalt  }
0x6f: {  	_ =	shalt  }
0x70: {  	_ =	shalt  }
0x71: {  	_ =	shalt  }
0x72: {  	_ =	shalt  }
0x73: {  	_ =	shalt  }
0x74: {  	_ =	shalt  }
0x75: {  	_ =	shalt  }
0x76: {  	_ =	shalt  }
0x77: {  	_ =	shalt  }
0x78: {  	_ =	shalt  }
0x79: {  	_ =	shalt  }
0x7a: {  	_ =	shalt  }
0x7b: {  	_ =	shalt  }
0x7c: {  	_ =	shalt  }
0x7d: {  	_ =	shalt  }
0x7e: {  	_ =	shalt  }
0x7f: {  	_ =	shalt  }
0x80: {  	_ =	shalt  }
0x81: {  	_ =	shalt  }
0x82: {  	_ =	shalt  }
0x83: {  	_ =	shalt  }
0x84: {  	_ =	shalt  }
0x85: {  	_ =	shalt  }
0x86: {  	_ =	shalt  }
0x87: {  	_ =	shalt  }
.Lfunc_end0:
.L_simem_size_0:
called_computation_lowered:
.L_overlay_start_0:
0x88: {  	s2 =	sld [smem:$0x3FD9]  }
0x89: {  	s3 =	sld [smem:$0x3FFE];
	_ =	sdelay $0x1  }
0x8a: {  	s1 =	srdreg.scid  }
0x8b: {  	s0 =	sand.u32 $0x1, s1  }
0x8c: {  	s16 =	sshll.u32 s0, $0xA;
	s2 =	sadd.s32 s3, s2  }
0x8d: {  	s2 =	sadd.s32 s2, s16  }
0x8e: {  	[smem:$0x3FB1] =	sst s2  }
0x8f: {  	_ = 	snop  }
0x90: {  	(tm) =	ssettm $0x1  }
0x91: {  	s17 =	sld [smem:$0x3FFB];
	_ =	sdelay $0x3  }
0x92: {  	_ =	strace s17  }
0x93: {  	s2 =	sld [smem:$0x3FFC];
	_ =	sdelay $0x3  }
0x94: {  	_ =	strace s2  }
0x95: {  	s2 =	sld [smem:$0x3FFD];
	_ =	sdelay $0x3  }
0x96: {  	_ =	strace s2  }
0x97: {  	_ =	strace $0x8FFFFFFF  }
0x98: {  	s18 =	sld [smem:$0x3FDB];
	_ =	sdelay $0x1  }
0x99: {  	s19 =	simm.s32 $_scs_section_size  }
0x9a: {  	s4 =	simm.s32 $_size__tile_overlayer_lowered;
	s5 =	simm.s32 $_tile_overlayer_lowered  }
0x9b: {  	s22 =	simm.s32 $0x1BFF;
	s21 =	sshll.u32 s5, $0x1;
	s2 =	sadd.s32 s19, s18  }
0x9c: {  	s6 =	simm.s32 $0x0;
	s20 =	sshll.u32 s4, $0x1;
	s4 =	sadd.s32 s21, s2  }
0x9d: {  	[timem:s6], [sflag:s22] =	dma.local [hbm:s4], s20  }
0x9e: {  	_ =	swait.ge [sflag:s22], s20  }
0x9f: {  	s3 =	ssub.s32 $0x0, s20;
	[sflag:s22] =	ssyncset.done $0x0  }
0xa0: {  	[sflag:s22] =	ssyncadd.s32 s3;
	_ =	sdelay $0x1  }
0xa1: {  	s23 =	simm.s32 $0x1B8B  }
0xa2: {  	_ =	swait.ge [sflag:s23], $0x1  }
0xa3: {  	[sflag:s23] =	ssyncset.done $0x0  }
0xa4: {  	s25 =	simm.s32 $0x1B8E;
	s24 =	sld [smem:$0x3FFE];
	[sflag:s23] =	ssyncadd.s32 $0xFFFFFFFF  }
0xa5: {  	s26 =	simm.s32 $execute0_lowered;
	[smem:$0x3FD2] =	sst s25  }
0xa6: {  	s4 =	sshll.u32 s26, $0x1;
	_ =	strace $0x80000046;
	[dreg:$0x1] =	wrdreg $0xFFFFFFFF  }
0xa7: {  	s28 =	simm.s32 $_size_execute0_lowered;
	s2 =	sadd.s32 s2, s4;
	[dreg:$0x0] =	wrdreg $0x0  }
0xa8: {  	s4 =	sshll.u32 s28, $0x1;
	[dreg:$0x2] =	wrdreg s2  }
0xa9: {  	[dreg:$0x3] =	wrdreg s4  }
0xaa: {  	[dreg:$0x4] =	wrdreg $0xC0  }
0xab: {  	_ =	task [dreg:s6], $0x5FFFF  }
0xac: {  	[dreg:$0x1] =	wrdreg $0xFFFFFFFF  }
0xad: {  	[dreg:$0x0] =	wrdreg $0x60  }
0xae: {  	[dreg:$0x2] =	wrdreg s24  }
0xaf: {  	[dreg:$0x3] =	wrdreg $0x9  }
0xb0: {  	_ =	task.clear_ibuf [dreg:s6], $0x4FFFF;
	_ =	strace $0x90000046  }
0xb1: {  	s29 =	simm.s32 $0x9;
	_ =	strace $0x80000048  }
0xb2: {  	_ =	swait.ge [sflag:s29], $0x1  }
0xb3: {  	[sflag:s29] =	ssyncadd.s32 $0xFFFFFFFF  }
0xb4: {  	_ =	strace $0x90000048  }
0xb5: {  	_ =	sfence  }
0xb6: {  	s30 =	sld [smem:$0x0];
	_ =	sdelay $0x2  }
0xb7: {  	s31 =	sshll.u32 s1, $0xD;
	s1 =	sshrl.u32 s1, $0x2  }
0xb8: {  	s3 =	sand.u32 $0x4000, s31;
	s1 =	sadd.s32 s1, s30  }
0xb9: {  	s0 =	sor.u32 s3, s0;
	s1 =	sshll.u32 s1, $0x11  }
0xba: {  	s0 =	sor.u32 s1, s0  }
0xbb: {  	s0 =	sadd.s32 $0x8F2B, s0  }
0xbc: {  	[sflag:s0] =	ssyncadd.remote.s32 $0x1  }
0xbd: {  	_ =	sfence.sel $0xFFFF  }
0xbe: {  	[dreg:$0x0] =	wrdreg $0xFFFFFFFF;
	(pc) =	sbr.abs _section_cstart, $3  }
0xbf: {  	[dreg:$0x1] =	wrdreg $0xFFFFFFFF  }
0xc0: {  	_ =	task.clear_ibuf [dreg:s6], $0x2FFFF;
	_ =	strace $0x9FFFFFFF  }
0xc1: {  	(tm) =	ssettm $0x7FFFFFFF  }
tec
execute0_lowered:
.L_overlay_start_1:
0x0: {  	(tag) =	ssettag $0x1  }
0x1: {  	s1 =	srdreg.scid;
	s5 =	rddreg [dreg:$0x0];
	s2 =	simm.s32 $0x0  }
0x2: {  	s0 =	stileid.u32;
	s15 =	simm.s32 $0x2100;
	[smem:$0x7FF] =	sst s2  }
0x3: {  	s16 =	simm.s32 $0x2900;
	_ =	strace $0x80000047;
	[dreg:$0x3] =	wrdreg s15  }
0x4: {  	s17 =	simm.s32 $0x3100;
	s18 =	simm.s32 $0x3900;
	[dreg:$0x4] =	wrdreg s16  }
0x5: {  	s19 =	simm.s32 $0x4100;
	s6 =	simm.s32 $0x4900;
	[dreg:$0x5] =	wrdreg s17  }
0x6: {  	s20 =	simm.s32 $0x5100;
	s21 =	simm.s32 $0x5900;
	[dreg:$0x6] =	wrdreg s18  }
0x7: {  	s22 =	simm.s32 $0x6100;
	s23 =	simm.s32 $0x6900;
	[dreg:$0x7] =	wrdreg s19  }
0x8: {  	s25 =	simm.s32 $0x7100;
	s26 =	simm.s32 $0x7900;
	[dreg:$0x8] =	wrdreg s6  }
0x9: {  	s31 =	simm.s32 $0x8100;
	s8 =	simm.s32 $0x1900;
	[dreg:$0x9] =	wrdreg s20  }
0xa: {  	s9 =	simm.s32 $0x8900;
	s10 =	simm.s32 $0x9100;
	[dreg:$0xa] =	wrdreg s21  }
0xb: {  	s11 =	simm.s32 $0x1;
	s12 =	simm.s32 $0x9900;
	[dreg:$0xb] =	wrdreg s22  }
0xc: {  	s13 =	simm.s32 $0xA100;
	s28 =	simm.s32 $0x11100;
	[dreg:$0xc] =	wrdreg s23  }
0xd: {  	s29 =	simm.s32 $0x2;
	s30 =	simm.s32 $0x0;
	[dreg:$0xd] =	wrdreg s25  }
0xe: {  	s1 =	sand.u32 $0x1, s1;
	s3 =	smul.u32 $0xC8000, s0;
	[dreg:$0xe] =	wrdreg s26  }
0xf: {  	s14 =	sshll.u32 s0, $0x1;
	s4 =	smul.u32 $0x64000, s1;
	[dreg:$0xf] =	wrdreg s31  }
0x10: {  	s15 =	simm.s32 $0xB100;
	s16 =	simm.s32 $0xB900;
	s17 =	simm.s32 $0xC100  }
0x11: {  	s18 =	simm.s32 $0xC900;
	s19 =	simm.s32 $0xD100;
	s20 =	simm.s32 $0xD900  }
0x12: {  	s21 =	simm.s32 $0xE100;
	s22 =	simm.s32 $0xE900;
	s3 =	sadd.s32 s3, s5  }
0x13: {  	s23 =	simm.s32 $0xF100;
	s3 =	sadd.s32 s4, s3;
	s4 =	sor.u32 s1, s14  }
0x14: {  	s25 =	simm.s32 $0x10100;
	s26 =	simm.s32 $0x10900;
	s4 =	smul.u32 $0x1900, s4  }
0x15: {  	s1 =	ssub.s32 $0x2, s1;
	s14 =	simm.s32 $0xA900;
	s3 =	sadd.s32 $0xCDB200, s3  }
0x16: {  	s7 =	sshrl.u32 s1, $0x1;
	[dreg:$0x2] =	wrdreg s3;
	s4 =	sshrl.u32 s4, $0x3  }
0x17: {  	v2 =	vlaneseq.u32;
	s3 =	sadd.s32 $0x588200, s5;
	s1 =	ssub.s32 s1, s7;
	s4 =	sadd.s32 s4, s5  }
0x18: {  	vm0 =	vmmov $0xffff;
	v1 =	vshrl.u32 v2, $0x3;
	s7 =	simm.s32 $0x3;
	s6 =	smax.u32 s1, $0x1;
	s24 =	sadd.s32 $0x581E00, s4  }
0x19: {  	v0 =	vand.u32 $0x7, v2;
	v2 =	vor.u32 $0x8, v2;
	v1 =	vmul.u32 $0x8, v1;
	s5 =	sadd.s32 $0x588300, s5;
	[dreg:$0x10] =	wrdreg s24;
	s24 =	simm.s32 $0xF900  }
.LBB2_1:
0x1a: {  	s0 =	rddreg [dreg:$0x10]  }
0x1b: {  	[tilespmem:s2], [sflag:$0x3] =	stream.linear.gather [hbm4b:s0+s2], $0x1900, $0x38;
	[tilespmem:$0x11900] =	vst v63  }
0x1c: {  	_ =	swait.ge [sflag:s7], $0x1900  }
0x1d: {  	[sflag:s7] =	ssyncset.done $0x0  }
0x1e: {  	s31 =	simm.s32 $0x40;
	s1 =	simm.s32 $0x0;
	[sflag:s7] =	ssyncadd.s32 $0xFFFFE700  }
.LBB2_2:
0x1f: {  	v3 =	vld [tilespmem:s31+$0xFFFFFFC0];
	_ =	sdelay $0x4  }
0x20: {  	v4 =	vshll.u32 v3, $0x2  }
0x21: {  	v3 =	vand.u32 $0x7, v3;
	v4 =	vand.u32 $0xFFFFFFE0, v4  }
0x22: {  	v3 =	vor.u32 v3, v4  }
0x23: {  	v4 =	vperm.xlane v3, v0;
	_ =	sdelay $0x1  }
0x24: {  	v4 =	vadd.s32 v1, v4;
	_ =	sdelay $0x1  }
0x25: {  	v3 =	vperm.xlane v3, v2;
	_ =	sdelay $0x1  }
0x26: {  	v3 =	vadd.s32 v1, v3  }
0x27: {  	[tilespmem:s8], [sflag:$0x1] =	stream.indirect_vreg.gather [hbm4b:s3+s2], $0x80, v4, vm0, $0xb8;
	[tilespmem:$0x11900] =	vst v63  }
0x28: {  	s0 =	rddreg [dreg:$0x3]  }
0x29: {  	[tilespmem:s0], [sflag:$0x1] =	stream.indirect_vreg.gather [hbm4b:s5+s2], $0x80, v4, vm0, $0xb8;
	[tilespmem:$0x11900] =	vst v63  }
0x2a: {  	s4 =	rddreg [dreg:$0x4]  }
0x2b: {  	[tilespmem:s4], [sflag:$0x1] =	stream.indirect_vreg.gather [hbm4b:s3+s2], $0x80, v3, vm0, $0xb8;
	[tilespmem:$0x11900] =	vst v63  }
0x2c: {  	s0 =	rddreg [dreg:$0x5]  }
0x2d: {  	[tilespmem:s0], [sflag:$0x1] =	stream.indirect_vreg.gather [hbm4b:s5+s2], $0x80, v3, vm0, $0xb8;
	[tilespmem:$0x11900] =	vst v63  }
0x2e: {  	v3 =	vld [tilespmem:s31+$0xFFFFFFD0];
	_ =	sdelay $0x4  }
0x2f: {  	v57 =	vshll.u32 v3, $0x2  }
0x30: {  	v3 =	vand.u32 $0x7, v3;
	v4 =	vand.u32 $0xFFFFFFE0, v57  }
0x31: {  	v3 =	vor.u32 v3, v4  }
0x32: {  	v4 =	vperm.xlane v3, v0;
	_ =	sdelay $0x1  }
0x33: {  	v4 =	vadd.s32 v1, v4;
	_ =	sdelay $0x1  }
0x34: {  	v3 =	vperm.xlane v3, v2;
	_ =	sdelay $0x1  }
0x35: {  	s0 =	rddreg [dreg:$0x6];
	v3 =	vadd.s32 v1, v3  }
0x36: {  	[tilespmem:s0], [sflag:$0x1] =	stream.indirect_vreg.gather [hbm4b:s3+s2], $0x80, v4, vm0, $0xb8;
	[tilespmem:$0x11900] =	vst v63  }
0x37: {  	s4 =	rddreg [dreg:$0x7]  }
0x38: {  	[tilespmem:s4], [sflag:$0x1] =	stream.indirect_vreg.gather [hbm4b:s5+s2], $0x80, v4, vm0, $0xb8;
	[tilespmem:$0x11900] =	vst v63  }
0x39: {  	s0 =	rddreg [dreg:$0x8]  }
0x3a: {  	[tilespmem:s0], [sflag:$0x1] =	stream.indirect_vreg.gather [hbm4b:s3+s2], $0x80, v3, vm0, $0xb8;
	[tilespmem:$0x11900] =	vst v63  }
0x3b: {  	s4 =	rddreg [dreg:$0x9]  }
0x3c: {  	[tilespmem:s4], [sflag:$0x1] =	stream.indirect_vreg.gather [hbm4b:s5+s2], $0x80, v3, vm0, $0xb8;
	[tilespmem:$0x11900] =	vst v63  }
0x3d: {  	v3 =	vld [tilespmem:s31+$0xFFFFFFE0];
	_ =	sdelay $0x4  }
0x3e: {  	v58 =	vshll.u32 v3, $0x2  }
0x3f: {  	v3 =	vand.u32 $0x7, v3;
	v4 =	vand.u32 $0xFFFFFFE0, v58  }
0x40: {  	v3 =	vor.u32 v3, v4  }
0x41: {  	v4 =	vperm.xlane v3, v0;
	_ =	sdelay $0x1  }
0x42: {  	v4 =	vadd.s32 v1, v4;
	_ =	sdelay $0x1  }
0x43: {  	v3 =	vperm.xlane v3, v2;
	_ =	sdelay $0x1  }
0x44: {  	s0 =	rddreg [dreg:$0xa];
	v3 =	vadd.s32 v1, v3  }
0x45: {  	[tilespmem:s0], [sflag:$0x1] =	stream.indirect_vreg.gather [hbm4b:s3+s2], $0x80, v4, vm0, $0xb8;
	[tilespmem:$0x11900] =	vst v63  }
0x46: {  	s4 =	rddreg [dreg:$0xb]  }
0x47: {  	[tilespmem:s4], [sflag:$0x1] =	stream.indirect_vreg.gather [hbm4b:s5+s2], $0x80, v4, vm0, $0xb8;
	[tilespmem:$0x11900] =	vst v63  }
0x48: {  	s0 =	rddreg [dreg:$0xc]  }
0x49: {  	[tilespmem:s0], [sflag:$0x1] =	stream.indirect_vreg.gather [hbm4b:s3+s2], $0x80, v3, vm0, $0xb8;
	[tilespmem:$0x11900] =	vst v63  }
0x4a: {  	s4 =	rddreg [dreg:$0xd]  }
0x4b: {  	[tilespmem:s4], [sflag:$0x1] =	stream.indirect_vreg.gather [hbm4b:s5+s2], $0x80, v3, vm0, $0xb8;
	[tilespmem:$0x11900] =	vst v63  }
0x4c: {  	v3 =	vld [tilespmem:s31+$0xFFFFFFF0];
	_ =	sdelay $0x4  }
0x4d: {  	v59 =	vshll.u32 v3, $0x2  }
0x4e: {  	v3 =	vand.u32 $0x7, v3;
	v4 =	vand.u32 $0xFFFFFFE0, v59  }
0x4f: {  	v3 =	vor.u32 v3, v4  }
0x50: {  	v4 =	vperm.xlane v3, v0;
	_ =	sdelay $0x1  }
0x51: {  	v4 =	vadd.s32 v1, v4;
	_ =	sdelay $0x1  }
0x52: {  	v3 =	vperm.xlane v3, v2;
	_ =	sdelay $0x1  }
0x53: {  	s0 =	rddreg [dreg:$0xe];
	v3 =	vadd.s32 v1, v3  }
0x54: {  	[tilespmem:s0], [sflag:$0x1] =	stream.indirect_vreg.gather [hbm4b:s3+s2], $0x80, v4, vm0, $0xb8;
	[tilespmem:$0x11900] =	vst v63  }
0x55: {  	s4 =	rddreg [dreg:$0xf]  }
0x56: {  	[tilespmem:s4], [sflag:$0x1] =	stream.indirect_vreg.gather [hbm4b:s5+s2], $0x80, v4, vm0, $0xb8;
	[tilespmem:$0x11900] =	vst v63  }
0x57: {  	_ = 	snop  }
0x58: {  	[tilespmem:s9], [sflag:$0x1] =	stream.indirect_vreg.gather [hbm4b:s3+s2], $0x80, v3, vm0, $0xb8;
	[tilespmem:$0x11900] =	vst v63  }
0x59: {  	_ = 	snop  }
0x5a: {  	[tilespmem:s10], [sflag:$0x1] =	stream.indirect_vreg.gather [hbm4b:s5+s2], $0x80, v3, vm0, $0xb8;
	[tilespmem:$0x11900] =	vst v63  }
0x5b: {  	_ =	swait.ge [sflag:s11], $0x8000  }
0x5c: {  	s4 =	rddreg [dreg:$0x2];
	[sflag:s11] =	ssyncset.done $0x0  }
0x5d: {  	[sflag:s11] =	ssyncadd.s32 $0xFFFF8000;
	s0 =	sadd.s32 s1, s4  }
0x5e: {  	[hbm4b:s0+s2] =	stream.linear.scatter [tilespmem:s8], [sflag:$0x3], $0x8000, $0x38;
	[tilespmem:$0x11900] =	vst v63  }
0x5f: {  	_ =	swait.ge [sflag:s7], $0x8000  }
0x60: {  	[sflag:s7] =	ssyncset.done $0x0  }
0x61: {  	[sflag:s7] =	ssyncadd.s32 $0xFFFF8000  }
0x62: {  	v3 =	vld [tilespmem:s31+$0x0];
	_ =	sdelay $0x4  }
0x63: {  	v60 =	vshll.u32 v3, $0x2  }
0x64: {  	v3 =	vand.u32 $0x7, v3;
	v4 =	vand.u32 $0xFFFFFFE0, v60  }
0x65: {  	v3 =	vor.u32 v3, v4  }
0x66: {  	v4 =	vperm.xlane v3, v0;
	_ =	sdelay $0x1  }
0x67: {  	v4 =	vadd.s32 v1, v4;
	_ =	sdelay $0x1  }
0x68: {  	v3 =	vperm.xlane v3, v2;
	_ =	sdelay $0x1  }
0x69: {  	v3 =	vadd.s32 v1, v3  }
0x6a: {  	[tilespmem:s12], [sflag:$0x2] =	stream.indirect_vreg.gather [hbm4b:s3+s2], $0x80, v4, vm0, $0xb8;
	[tilespmem:$0x11900] =	vst v63  }
0x6b: {  	_ = 	snop  }
0x6c: {  	[tilespmem:s13], [sflag:$0x2] =	stream.indirect_vreg.gather [hbm4b:s5+s2], $0x80, v4, vm0, $0xb8;
	[tilespmem:$0x11900] =	vst v63  }
0x6d: {  	_ = 	snop  }
0x6e: {  	[tilespmem:s14], [sflag:$0x2] =	stream.indirect_vreg.gather [hbm4b:s3+s2], $0x80, v3, vm0, $0xb8;
	[tilespmem:$0x11900] =	vst v63  }
0x6f: {  	_ = 	snop  }
0x70: {  	[tilespmem:s15], [sflag:$0x2] =	stream.indirect_vreg.gather [hbm4b:s5+s2], $0x80, v3, vm0, $0xb8;
	[tilespmem:$0x11900] =	vst v63  }
0x71: {  	v3 =	vld [tilespmem:s31+$0x10];
	_ =	sdelay $0x4  }
0x72: {  	v61 =	vshll.u32 v3, $0x2  }
0x73: {  	v3 =	vand.u32 $0x7, v3;
	v4 =	vand.u32 $0xFFFFFFE0, v61  }
0x74: {  	v3 =	vor.u32 v3, v4  }
0x75: {  	v4 =	vperm.xlane v3, v0;
	_ =	sdelay $0x1  }
0x76: {  	v4 =	vadd.s32 v1, v4;
	_ =	sdelay $0x1  }
0x77: {  	v3 =	vperm.xlane v3, v2;
	_ =	sdelay $0x1  }
0x78: {  	v3 =	vadd.s32 v1, v3  }
0x79: {  	[tilespmem:s16], [sflag:$0x2] =	stream.indirect_vreg.gather [hbm4b:s3+s2], $0x80, v4, vm0, $0xb8;
	[tilespmem:$0x11900] =	vst v63  }
0x7a: {  	_ = 	snop  }
0x7b: {  	[tilespmem:s17], [sflag:$0x2] =	stream.indirect_vreg.gather [hbm4b:s5+s2], $0x80, v4, vm0, $0xb8;
	[tilespmem:$0x11900] =	vst v63  }
0x7c: {  	_ = 	snop  }
0x7d: {  	[tilespmem:s18], [sflag:$0x2] =	stream.indirect_vreg.gather [hbm4b:s3+s2], $0x80, v3, vm0, $0xb8;
	[tilespmem:$0x11900] =	vst v63  }
0x7e: {  	_ = 	snop  }
0x7f: {  	[tilespmem:s19], [sflag:$0x2] =	stream.indirect_vreg.gather [hbm4b:s5+s2], $0x80, v3, vm0, $0xb8;
	[tilespmem:$0x11900] =	vst v63  }
0x80: {  	v3 =	vld [tilespmem:s31+$0x20];
	_ =	sdelay $0x4  }
0x81: {  	v62 =	vshll.u32 v3, $0x2  }
0x82: {  	v3 =	vand.u32 $0x7, v3;
	v4 =	vand.u32 $0xFFFFFFE0, v62  }
0x83: {  	v3 =	vor.u32 v3, v4  }
0x84: {  	v4 =	vperm.xlane v3, v0;
	_ =	sdelay $0x1  }
0x85: {  	v4 =	vadd.s32 v1, v4;
	_ =	sdelay $0x1  }
0x86: {  	v3 =	vperm.xlane v3, v2;
	_ =	sdelay $0x1  }
0x87: {  	v3 =	vadd.s32 v1, v3  }
0x88: {  	[tilespmem:s20], [sflag:$0x2] =	stream.indirect_vreg.gather [hbm4b:s3+s2], $0x80, v4, vm0, $0xb8;
	[tilespmem:$0x11900] =	vst v63  }
0x89: {  	_ = 	snop  }
0x8a: {  	[tilespmem:s21], [sflag:$0x2] =	stream.indirect_vreg.gather [hbm4b:s5+s2], $0x80, v4, vm0, $0xb8;
	[tilespmem:$0x11900] =	vst v63  }
0x8b: {  	_ = 	snop  }
0x8c: {  	[tilespmem:s22], [sflag:$0x2] =	stream.indirect_vreg.gather [hbm4b:s3+s2], $0x80, v3, vm0, $0xb8;
	[tilespmem:$0x11900] =	vst v63  }
0x8d: {  	_ = 	snop  }
0x8e: {  	[tilespmem:s23], [sflag:$0x2] =	stream.indirect_vreg.gather [hbm4b:s5+s2], $0x80, v3, vm0, $0xb8;
	[tilespmem:$0x11900] =	vst v63  }
0x8f: {  	v3 =	vld [tilespmem:s31+$0x30];
	_ =	sdelay $0x4  }
0x90: {  	v63 =	vshll.u32 v3, $0x2  }
0x91: {  	v3 =	vand.u32 $0x7, v3;
	v4 =	vand.u32 $0xFFFFFFE0, v63  }
0x92: {  	v3 =	vor.u32 v3, v4  }
0x93: {  	v4 =	vperm.xlane v3, v0;
	_ =	sdelay $0x1  }
0x94: {  	v4 =	vadd.s32 v1, v4;
	_ =	sdelay $0x1  }
0x95: {  	v3 =	vperm.xlane v3, v2;
	_ =	sdelay $0x1  }
0x96: {  	v3 =	vadd.s32 v1, v3  }
0x97: {  	[tilespmem:s24], [sflag:$0x2] =	stream.indirect_vreg.gather [hbm4b:s3+s2], $0x80, v4, vm0, $0xb8;
	[tilespmem:$0x11900] =	vst v63  }
0x98: {  	_ = 	snop  }
0x99: {  	[tilespmem:s25], [sflag:$0x2] =	stream.indirect_vreg.gather [hbm4b:s5+s2], $0x80, v4, vm0, $0xb8;
	[tilespmem:$0x11900] =	vst v63  }
0x9a: {  	_ = 	snop  }
0x9b: {  	[tilespmem:s26], [sflag:$0x2] =	stream.indirect_vreg.gather [hbm4b:s3+s2], $0x80, v3, vm0, $0xb8;
	[tilespmem:$0x11900] =	vst v63  }
0x9c: {  	_ = 	snop  }
0x9d: {  	[tilespmem:s28], [sflag:$0x2] =	stream.indirect_vreg.gather [hbm4b:s5+s2], $0x80, v3, vm0, $0xb8;
	[tilespmem:$0x11900] =	vst v63  }
0x9e: {  	_ =	swait.ge [sflag:s29], $0x8000  }
0x9f: {  	p0 =	sne.s32 s1, $0x62000;
	[sflag:s29] =	ssyncset.done $0x0  }
.Ltmp0:
0xa0: {  	s0 =	sadd.s32 $0x1000, s0;
	[sflag:s29] =	ssyncadd.s32 $0xFFFF8000;
	(pc) =	sbr.rel @p0 .LBB2_2-.Ltmp0, $4  }
0xa1: {  	[hbm4b:s0+s2] =	stream.linear.scatter [tilespmem:s12], [sflag:$0x3], $0x8000, $0x38;
	[tilespmem:$0x11900] =	vst v63  }
0xa2: {  	_ =	swait.ge [sflag:s7], $0x8000  }
0xa3: {  	[sflag:s7] =	ssyncset.done $0x0  }
0xa4: {  	s1 =	sadd.s32 $0x2000, s1;
	s31 =	sadd.s32 $0x80, s31;
	[sflag:s7] =	ssyncadd.s32 $0xFFFF8000  }
0xa5: {  	s30 =	sadd.s32 $0x1, s30  }
0xa6: {  	p0 =	sne.s32 s30, s6  }
.Ltmp1:
0xa7: {  	_ = 	snop;
	(pc) =	sbr.rel @p0 .LBB2_1-.Ltmp1, $1  }
0xa8: {  	_ =	sdelay $0x3  }
0xa9: {  	_ =	sfence.sel $0x180000  }
0xaa: {  	[bflag:$0x0] =	sbarrier.arrive $0xFFFF  }
0xab: {  	_ =	strace $0x90000047  }
0xac: {  	s0 =	stileid.u32;
	[bflag:$0x2] =	sbarrier.arrive $0xFFFF  }
0xad: {  	p0 =	sne.s32 s0, $0x0;
	s0 =	rddreg [dreg:$0x1]  }
0xae: {  	s0 =	sadd.s32 @!p0 $0x100000, s0  }
0xaf: {  	[sflag:s0] =	ssyncadd.tile.s32 @!p0 $0x1;
	_ =	shalt  }
.Lfunc_end2:
_tile_overlayer_lowered:
.L_overlay_start_2:
0xb0: {  	(tag) =	ssettag $0x2  }
0xb1: {  	s0 =	rddreg [dreg:$0x0];
	s2 =	stileid.u32  }
0xb2: {  	s1 =	rddreg [dreg:$0x1];
	p0 =	sne.s32 s2, $0x0  }
0xb3: {  	s3 =	rddreg [dreg:$0x2];
	[bflag:$0x3] =	sbarrier.arrive $0xFFFF;
	s2 =	simm.s32 @!p0 $0x1C03  }
0xb4: {  	[timem:s3], [sflag:s2] =	dma.local @!p0 [hbm:s0], s1  }
0xb5: {  	s0 =	simm.s32 @!p0 $0x3  }
0xb6: {  	_ =	swait.ge @!p0 [sflag:s0], s1  }
0xb7: {  	s1 =	ssub.s32 @!p0 $0x0, s1;
	[sflag:s0] =	ssyncset.done @!p0 $0x0  }
0xb8: {  	[sflag:s0] =	ssyncadd.s32 @!p0 s1  }
0xb9: {  	[bflag:$0x3] =	sbarrier.arrive $0xFFFF  }
0xba: {  	_ =	shalt  }

</sc_bundles>
